<compile_context>
chip_gen: v7x
topology: tpu7x:2x2x1
jax: 0.10.2.dev20260603
libtpu: 0.0.44.dev20260713+nightly
codegen_flags: <defaults>
</compile_context>

<pallas_src>
import jax
import jax.numpy as jnp
from jax import lax
from jax.experimental import pallas as pl
from jax.experimental.pallas import tpu as pltpu
from jax.experimental.pallas import tpu_sc as plsc

BATCH = 1024
SEQ = 200
DIM = 64
PAD = 128
FLAT = BATCH * SEQ
LANES = 16
NC = 2
NS = 16
NW = NC * NS
CHUNKS = BATCH // NW
ROWS_PER_TILE = CHUNKS * SEQ
NBUF = 4
SPLIT = 128


def _encoder_call(idx_flat, table128, pos_flat):
    mesh = plsc.VectorSubcoreMesh(core_axis_name="c", subcore_axis_name="s")

    @pl.kernel(
        out_type=jax.ShapeDtypeStruct((FLAT, PAD), jnp.float32),
        mesh=mesh,
        scratch_types=[
            pltpu.VMEM((ROWS_PER_TILE,), jnp.int32),
            pltpu.VMEM((SEQ * DIM,), jnp.float32),
            pltpu.VMEM((NBUF, SEQ, PAD), jnp.float32),
            pltpu.SemaphoreType.DMA((NBUF,)),
            pltpu.SemaphoreType.DMA((NBUF,)),
        ],
    )
    def enc_kernel(table_hbm, idx_hbm, pos_hbm, out_hbm,
                   idx_v, pos_v, rows_v, gsem, osem):
        wid = lax.axis_index("s") * NC + lax.axis_index("c")
        base = wid * ROWS_PER_TILE

        pltpu.sync_copy(idx_hbm.at[pl.ds(base, ROWS_PER_TILE)], idx_v)
        pltpu.sync_copy(pos_hbm, pos_v)

        def gather_descs(q, b):
            return (
                pltpu.make_async_copy(
                    table_hbm.at[idx_v.at[pl.ds(q * SEQ, SPLIT)]],
                    rows_v.at[b, pl.ds(0, SPLIT), :],
                    gsem.at[b],
                ),
                pltpu.make_async_copy(
                    table_hbm.at[idx_v.at[pl.ds(q * SEQ + SPLIT, SEQ - SPLIT)]],
                    rows_v.at[b, pl.ds(SPLIT, SEQ - SPLIT), :],
                    gsem.at[b],
                ),
            )

        def out_desc(q, b):
            return pltpu.make_async_copy(
                rows_v.at[b],
                out_hbm.at[pl.ds(base + q * SEQ, SEQ), :],
                osem.at[b],
            )

        def start_fetch(q, b):
            d1, d2 = gather_descs(q, b)
            d1.start()
            d2.start()

        def wait_fetch(q, b):
            d1, d2 = gather_descs(q, b)
            d1.wait()
            d2.wait()

        for j in range(NBUF - 1):
            start_fetch(j, j)

        @pl.loop(0, CHUNKS, step=NBUF)
        def _(c0):
            for j in range(NBUF):
                q = c0 + j
                qpre = q + NBUF - 1
                bpre = (j + NBUF - 1) % NBUF

                @pl.when(qpre < CHUNKS)
                def _():
                    @pl.when(q >= 1)
                    def _():
                        out_desc(q - 1, bpre).wait()

                    start_fetch(qpre, bpre)

                wait_fetch(q, j)

                @pl.loop(0, SEQ)
                def _(r):
                    for cc in range(0, DIM, LANES):
                        rows_v[j, r, pl.ds(cc, LANES)] = (
                            rows_v[j, r, pl.ds(cc, LANES)]
                            + pos_v[pl.ds(r * DIM + cc, LANES)]
                        )

                out_desc(q, j).start()

        for j in range(NBUF):
            out_desc(CHUNKS - NBUF + j, j).wait()

    return enc_kernel(table128, idx_flat, pos_flat)


def kernel(text, embedding_weight, positional_encoding):
    seq_len = text.shape[1]
    idx_flat = text.astype(jnp.int32).reshape(FLAT)
    pos_flat = positional_encoding[0, :seq_len, :].reshape(SEQ * DIM)
    quarter = embedding_weight.shape[0] // 4
    table128 = jnp.concatenate(
        [
            jnp.pad(embedding_weight[k * quarter:(k + 1) * quarter],
                    ((0, 0), (0, PAD - DIM)))
            for k in range(4)
        ],
        axis=0,
    )
    out = _encoder_call(idx_flat, table128, pos_flat)
    return out[:, :DIM].reshape(BATCH, SEQ, DIM)

# --- scband reference (transcript-rebuilt; emitter-appended) ---
"""Pipeline reference for scband-text-encoder-66924180407358 (READ-ONLY COPY).

The authoritative reference and input builder live on the scoring server;
editing this copy changes nothing except your own understanding.
"""

import jax, jax.numpy as jnp
import numpy as np

VOCAB = 1000000
DIM = 64
MAX_SEQ = 2048
BATCH = 1024
SEQ = 200

def setup_inputs(seed: int = 0) -> dict:
    key = jax.random.key(seed)
    k1, k2, k3 = jax.random.split(key, 3)
    text = jax.random.randint(k1, (BATCH, SEQ), 0, VOCAB, dtype=jnp.int64 if jax.config.jax_enable_x64 else jnp.int32)
    embedding_weight = jax.random.normal(k2, (VOCAB, DIM), dtype=jnp.float32) * 0.02
    positional_encoding = jax.random.normal(k3, (1, MAX_SEQ, DIM), dtype=jnp.float32)
    return {"text": text, "embedding_weight": embedding_weight, "positional_encoding": positional_encoding}

def reference(text, embedding_weight, positional_encoding):
    seq_len = text.shape[1]
    embeddings = jnp.take(embedding_weight, text, axis=0)
    embeddings = embeddings + positional_encoding[:, :seq_len, :]
    return embeddings

if __name__ == "__main__":
    import jax
    _d = setup_inputs()
    print(jax.jit(kernel)(*tuple(_d.values())))

</pallas_src>

<mosaic_0001>
#map = affine_map<(d0, d1) -> (0, 0)>
#map1 = affine_map<(d0, d1) -> (0)>
module attributes {stable_mosaic.version = 14 : i64} {
  func.func @enc_kernel(%arg0: i32, %arg1: i32, %arg2: memref<1000000x128xf32, #tpu.memory_space<hbm>>, %arg3: memref<204800xi32, #tpu.memory_space<hbm>>, %arg4: memref<12800xf32, #tpu.memory_space<hbm>>, %arg5: memref<204800x128xf32, #tpu.memory_space<hbm>>, %arg6: memref<6400xi32, #tpu.memory_space<vmem>>, %arg7: memref<12800xf32, #tpu.memory_space<vmem>>, %arg8: memref<4x200x128xf32, #tpu.memory_space<vmem>>, %arg9: memref<4x!tpu.dma_semaphore, #tpu.memory_space<semaphore_mem>>, %arg10: memref<4x!tpu.dma_semaphore, #tpu.memory_space<semaphore_mem>>) attributes {dimension_semantics = [#tpu.dimension_semantics<core_parallel>, #tpu.dimension_semantics<subcore_parallel>], iteration_bounds = array<i64: 2, 16>, scalar_prefetch = 0 : i64, scratch_operands = 5 : i64, tpu.core_type = #tpu.core_type<sc_vector_subcore>, window_params = [{transform_indices = #map}, {transform_indices = #map1}, {transform_indices = #map1}, {transform_indices = #map}]} {
    %mul3A = arith.constant 2 : i32
    %mul3A_0 = arith.muli %arg1, %mul3A : i32
    %add3A = arith.addi %mul3A_0, %arg0 : i32
    %mul3A_1 = arith.constant 6400 : i32
    %mul3A_2 = arith.muli %add3A, %mul3A_1 : i32
    "tpu.region"() ({
      %run_scoped3A = tpu.sem_alloc : memref<!tpu.dma_semaphore, #tpu.memory_space<semaphore_mem>>
      %dma_start3A_155 = tpu.memref_slice %arg3[%mul3A_2] : memref<204800xi32, #tpu.memory_space<hbm>> -> memref<6400xi32, #tpu.memory_space<hbm>>
      %dma_start3A_156 = tpu.memref_slice %arg3[%mul3A_2] : memref<204800xi32, #tpu.memory_space<hbm>> -> memref<6400xi32, #tpu.memory_space<hbm>>
      tpu.enqueue_dma source(%dma_start3A_156 : memref<6400xi32, #tpu.memory_space<hbm>>) target(%arg6 : memref<6400xi32, #tpu.memory_space<vmem>>) target_semaphore(%run_scoped3A : memref<!tpu.dma_semaphore, #tpu.memory_space<semaphore_mem>>)
      %dma_wait3A_157 = tpu.memref_slice %arg3[%mul3A_2] : memref<204800xi32, #tpu.memory_space<hbm>> -> memref<6400xi32, #tpu.memory_space<hbm>>
      %dma_wait3A_158 = tpu.memref_slice %arg3[%mul3A_2] : memref<204800xi32, #tpu.memory_space<hbm>> -> memref<6400xi32, #tpu.memory_space<hbm>>
      tpu.wait_dma2 semaphore(%run_scoped3A : memref<!tpu.dma_semaphore, #tpu.memory_space<semaphore_mem>>) src(%dma_wait3A_158 : memref<6400xi32, #tpu.memory_space<hbm>>) dst(%arg6 : memref<6400xi32, #tpu.memory_space<vmem>>)
      tpu.yield
    }) : () -> ()
    "tpu.region"() ({
      %run_scoped3A = tpu.sem_alloc : memref<!tpu.dma_semaphore, #tpu.memory_space<semaphore_mem>>
      tpu.enqueue_dma source(%arg4 : memref<12800xf32, #tpu.memory_space<hbm>>) target(%arg7 : memref<12800xf32, #tpu.memory_space<vmem>>) target_semaphore(%run_scoped3A : memref<!tpu.dma_semaphore, #tpu.memory_space<semaphore_mem>>)
      tpu.wait_dma2 semaphore(%run_scoped3A : memref<!tpu.dma_semaphore, #tpu.memory_space<semaphore_mem>>) src(%arg4 : memref<12800xf32, #tpu.memory_space<hbm>>) dst(%arg7 : memref<12800xf32, #tpu.memory_space<vmem>>)
      tpu.yield
    }) : () -> ()
    %dma_start3A = arith.constant 0 : i32
    %dma_start3A_3 = arith.constant 0 : i32
    %dma_start3A_4 = arith.constant 0 : i32
    %dma_start3A_5 = arith.constant 0 : i32
    %dma_start3A_6 = tpu.memref_slice %arg8[%dma_start3A, %dma_start3A_4, %dma_start3A_5] : memref<4x200x128xf32, #tpu.memory_space<vmem>> -> memref<1x128x128xf32, #tpu.memory_space<vmem>>
    %dma_start3A_7 = tpu.memref_squeeze %dma_start3A_6 : memref<1x128x128xf32, #tpu.memory_space<vmem>> -> memref<128x128xf32, #tpu.memory_space<vmem>>
    %dma_start3A_8 = arith.constant 0 : i32
    %dma_start3A_9 = tpu.memref_slice %arg6[%dma_start3A_8] : memref<6400xi32, #tpu.memory_space<vmem>> -> memref<128xi32, #tpu.memory_space<vmem>>
    %dma_start3A_10 = arith.constant 0 : i32
    %dma_start3A_11 = arith.constant 0 : i32
    %dma_start3A_12 = tpu.memref_slice %arg2[%dma_start3A_10, %dma_start3A_11] : memref<1000000x128xf32, #tpu.memory_space<hbm>> -> memref<1000000x128xf32, #tpu.memory_space<hbm>>
    %dma_start3A_13 = tpu.memref_slice %arg9[%dma_start3A_3] : memref<4x!tpu.dma_semaphore, #tpu.memory_space<semaphore_mem>> -> memref<1x!tpu.dma_semaphore, #tpu.memory_space<semaphore_mem>>
    %dma_start3A_14 = tpu.memref_squeeze %dma_start3A_13 : memref<1x!tpu.dma_semaphore, #tpu.memory_space<semaphore_mem>> -> memref<!tpu.dma_semaphore, #tpu.memory_space<semaphore_mem>>
    tpu.enqueue_indirect_dma source(%dma_start3A_12 : memref<1000000x128xf32, #tpu.memory_space<hbm>>) target(%dma_start3A_7 : memref<128x128xf32, #tpu.memory_space<vmem>>) offsets(%dma_start3A_9 : memref<128xi32, #tpu.memory_space<vmem>>) semaphore(%dma_start3A_14 : memref<!tpu.dma_semaphore, #tpu.memory_space<semaphore_mem>>)
    %dma_start3A_15 = arith.constant 0 : i32
    %dma_start3A_16 = arith.constant 0 : i32
    %dma_start3A_17 = arith.constant 128 : i32
    %dma_start3A_18 = arith.constant 0 : i32
    %dma_start3A_19 = tpu.memref_slice %arg8[%dma_start3A_15, %dma_start3A_17, %dma_start3A_18] : memref<4x200x128xf32, #tpu.memory_space<vmem>> -> memref<1x72x128xf32, #tpu.memory_space<vmem>>
    %dma_start3A_20 = tpu.memref_squeeze %dma_start3A_19 : memref<1x72x128xf32, #tpu.memory_space<vmem>> -> memref<72x128xf32, #tpu.memory_space<vmem>>
    %dma_start3A_21 = arith.constant 128 : i32
    %dma_start3A_22 = tpu.memref_slice %arg6[%dma_start3A_21] : memref<6400xi32, #tpu.memory_space<vmem>> -> memref<72xi32, #tpu.memory_space<vmem>>
    %dma_start3A_23 = arith.constant 0 : i32
    %dma_start3A_24 = arith.constant 0 : i32
    %dma_start3A_25 = tpu.memref_slice %arg2[%dma_start3A_23, %dma_start3A_24] : memref<1000000x128xf32, #tpu.memory_space<hbm>> -> memref<1000000x128xf32, #tpu.memory_space<hbm>>
    %dma_start3A_26 = tpu.memref_slice %arg9[%dma_start3A_16] : memref<4x!tpu.dma_semaphore, #tpu.memory_space<semaphore_mem>> -> memref<1x!tpu.dma_semaphore, #tpu.memory_space<semaphore_mem>>
    %dma_start3A_27 = tpu.memref_squeeze %dma_start3A_26 : memref<1x!tpu.dma_semaphore, #tpu.memory_space<semaphore_mem>> -> memref<!tpu.dma_semaphore, #tpu.memory_space<semaphore_mem>>
    tpu.enqueue_indirect_dma source(%dma_start3A_25 : memref<1000000x128xf32, #tpu.memory_space<hbm>>) target(%dma_start3A_20 : memref<72x128xf32, #tpu.memory_space<vmem>>) offsets(%dma_start3A_22 : memref<72xi32, #tpu.memory_space<vmem>>) semaphore(%dma_start3A_27 : memref<!tpu.dma_semaphore, #tpu.memory_space<semaphore_mem>>)
    %dma_start3A_28 = arith.constant 1 : i32
    %dma_start3A_29 = arith.constant 1 : i32
    %dma_start3A_30 = arith.constant 0 : i32
    %dma_start3A_31 = arith.constant 0 : i32
    %dma_start3A_32 = tpu.memref_slice %arg8[%dma_start3A_28, %dma_start3A_30, %dma_start3A_31] : memref<4x200x128xf32, #tpu.memory_space<vmem>> -> memref<1x128x128xf32, #tpu.memory_space<vmem>>
    %dma_start3A_33 = tpu.memref_squeeze %dma_start3A_32 : memref<1x128x128xf32, #tpu.memory_space<vmem>> -> memref<128x128xf32, #tpu.memory_space<vmem>>
    %dma_start3A_34 = arith.constant 200 : i32
    %dma_start3A_35 = tpu.memref_slice %arg6[%dma_start3A_34] : memref<6400xi32, #tpu.memory_space<vmem>> -> memref<128xi32, #tpu.memory_space<vmem>>
    %dma_start3A_36 = arith.constant 0 : i32
    %dma_start3A_37 = arith.constant 0 : i32
    %dma_start3A_38 = tpu.memref_slice %arg2[%dma_start3A_36, %dma_start3A_37] : memref<1000000x128xf32, #tpu.memory_space<hbm>> -> memref<1000000x128xf32, #tpu.memory_space<hbm>>
    %dma_start3A_39 = tpu.memref_slice %arg9[%dma_start3A_29] : memref<4x!tpu.dma_semaphore, #tpu.memory_space<semaphore_mem>> -> memref<1x!tpu.dma_semaphore, #tpu.memory_space<semaphore_mem>>
    %dma_start3A_40 = tpu.memref_squeeze %dma_start3A_39 : memref<1x!tpu.dma_semaphore, #tpu.memory_space<semaphore_mem>> -> memref<!tpu.dma_semaphore, #tpu.memory_space<semaphore_mem>>
    tpu.enqueue_indirect_dma source(%dma_start3A_38 : memref<1000000x128xf32, #tpu.memory_space<hbm>>) target(%dma_start3A_33 : memref<128x128xf32, #tpu.memory_space<vmem>>) offsets(%dma_start3A_35 : memref<128xi32, #tpu.memory_space<vmem>>) semaphore(%dma_start3A_40 : memref<!tpu.dma_semaphore, #tpu.memory_space<semaphore_mem>>)
    %dma_start3A_41 = arith.constant 1 : i32
    %dma_start3A_42 = arith.constant 1 : i32
    %dma_start3A_43 = arith.constant 128 : i32
    %dma_start3A_44 = arith.constant 0 : i32
    %dma_start3A_45 = tpu.memref_slice %arg8[%dma_start3A_41, %dma_start3A_43, %dma_start3A_44] : memref<4x200x128xf32, #tpu.memory_space<vmem>> -> memref<1x72x128xf32, #tpu.memory_space<vmem>>
    %dma_start3A_46 = tpu.memref_squeeze %dma_start3A_45 : memref<1x72x128xf32, #tpu.memory_space<vmem>> -> memref<72x128xf32, #tpu.memory_space<vmem>>
    %dma_start3A_47 = arith.constant 328 : i32
    %dma_start3A_48 = tpu.memref_slice %arg6[%dma_start3A_47] : memref<6400xi32, #tpu.memory_space<vmem>> -> memref<72xi32, #tpu.memory_space<vmem>>
    %dma_start3A_49 = arith.constant 0 : i32
    %dma_start3A_50 = arith.constant 0 : i32
    %dma_start3A_51 = tpu.memref_slice %arg2[%dma_start3A_49, %dma_start3A_50] : memref<1000000x128xf32, #tpu.memory_space<hbm>> -> memref<1000000x128xf32, #tpu.memory_space<hbm>>
    %dma_start3A_52 = tpu.memref_slice %arg9[%dma_start3A_42] : memref<4x!tpu.dma_semaphore, #tpu.memory_space<semaphore_mem>> -> memref<1x!tpu.dma_semaphore, #tpu.memory_space<semaphore_mem>>
    %dma_start3A_53 = tpu.memref_squeeze %dma_start3A_52 : memref<1x!tpu.dma_semaphore, #tpu.memory_space<semaphore_mem>> -> memref<!tpu.dma_semaphore, #tpu.memory_space<semaphore_mem>>
    tpu.enqueue_indirect_dma source(%dma_start3A_51 : memref<1000000x128xf32, #tpu.memory_space<hbm>>) target(%dma_start3A_46 : memref<72x128xf32, #tpu.memory_space<vmem>>) offsets(%dma_start3A_48 : memref<72xi32, #tpu.memory_space<vmem>>) semaphore(%dma_start3A_53 : memref<!tpu.dma_semaphore, #tpu.memory_space<semaphore_mem>>)
    %dma_start3A_54 = arith.constant 2 : i32
    %dma_start3A_55 = arith.constant 2 : i32
    %dma_start3A_56 = arith.constant 0 : i32
    %dma_start3A_57 = arith.constant 0 : i32
    %dma_start3A_58 = tpu.memref_slice %arg8[%dma_start3A_54, %dma_start3A_56, %dma_start3A_57] : memref<4x200x128xf32, #tpu.memory_space<vmem>> -> memref<1x128x128xf32, #tpu.memory_space<vmem>>
    %dma_start3A_59 = tpu.memref_squeeze %dma_start3A_58 : memref<1x128x128xf32, #tpu.memory_space<vmem>> -> memref<128x128xf32, #tpu.memory_space<vmem>>
    %dma_start3A_60 = arith.constant 400 : i32
    %dma_start3A_61 = tpu.memref_slice %arg6[%dma_start3A_60] : memref<6400xi32, #tpu.memory_space<vmem>> -> memref<128xi32, #tpu.memory_space<vmem>>
    %dma_start3A_62 = arith.constant 0 : i32
    %dma_start3A_63 = arith.constant 0 : i32
    %dma_start3A_64 = tpu.memref_slice %arg2[%dma_start3A_62, %dma_start3A_63] : memref<1000000x128xf32, #tpu.memory_space<hbm>> -> memref<1000000x128xf32, #tpu.memory_space<hbm>>
    %dma_start3A_65 = tpu.memref_slice %arg9[%dma_start3A_55] : memref<4x!tpu.dma_semaphore, #tpu.memory_space<semaphore_mem>> -> memref<1x!tpu.dma_semaphore, #tpu.memory_space<semaphore_mem>>
    %dma_start3A_66 = tpu.memref_squeeze %dma_start3A_65 : memref<1x!tpu.dma_semaphore, #tpu.memory_space<semaphore_mem>> -> memref<!tpu.dma_semaphore, #tpu.memory_space<semaphore_mem>>
    tpu.enqueue_indirect_dma source(%dma_start3A_64 : memref<1000000x128xf32, #tpu.memory_space<hbm>>) target(%dma_start3A_59 : memref<128x128xf32, #tpu.memory_space<vmem>>) offsets(%dma_start3A_61 : memref<128xi32, #tpu.memory_space<vmem>>) semaphore(%dma_start3A_66 : memref<!tpu.dma_semaphore, #tpu.memory_space<semaphore_mem>>)
    %dma_start3A_67 = arith.constant 2 : i32
    %dma_start3A_68 = arith.constant 2 : i32
    %dma_start3A_69 = arith.constant 128 : i32
    %dma_start3A_70 = arith.constant 0 : i32
    %dma_start3A_71 = tpu.memref_slice %arg8[%dma_start3A_67, %dma_start3A_69, %dma_start3A_70] : memref<4x200x128xf32, #tpu.memory_space<vmem>> -> memref<1x72x128xf32, #tpu.memory_space<vmem>>
    %dma_start3A_72 = tpu.memref_squeeze %dma_start3A_71 : memref<1x72x128xf32, #tpu.memory_space<vmem>> -> memref<72x128xf32, #tpu.memory_space<vmem>>
    %dma_start3A_73 = arith.constant 528 : i32
    %dma_start3A_74 = tpu.memref_slice %arg6[%dma_start3A_73] : memref<6400xi32, #tpu.memory_space<vmem>> -> memref<72xi32, #tpu.memory_space<vmem>>
    %dma_start3A_75 = arith.constant 0 : i32
    %dma_start3A_76 = arith.constant 0 : i32
    %dma_start3A_77 = tpu.memref_slice %arg2[%dma_start3A_75, %dma_start3A_76] : memref<1000000x128xf32, #tpu.memory_space<hbm>> -> memref<1000000x128xf32, #tpu.memory_space<hbm>>
    %dma_start3A_78 = tpu.memref_slice %arg9[%dma_start3A_68] : memref<4x!tpu.dma_semaphore, #tpu.memory_space<semaphore_mem>> -> memref<1x!tpu.dma_semaphore, #tpu.memory_space<semaphore_mem>>
    %dma_start3A_79 = tpu.memref_squeeze %dma_start3A_78 : memref<1x!tpu.dma_semaphore, #tpu.memory_space<semaphore_mem>> -> memref<!tpu.dma_semaphore, #tpu.memory_space<semaphore_mem>>
    tpu.enqueue_indirect_dma source(%dma_start3A_77 : memref<1000000x128xf32, #tpu.memory_space<hbm>>) target(%dma_start3A_72 : memref<72x128xf32, #tpu.memory_space<vmem>>) offsets(%dma_start3A_74 : memref<72xi32, #tpu.memory_space<vmem>>) semaphore(%dma_start3A_79 : memref<!tpu.dma_semaphore, #tpu.memory_space<semaphore_mem>>)
    %scan3A = arith.constant 0 : i32
    %scan3A_80 = arith.constant 8 : i32
    %scan3A_81 = arith.addi %scan3A, %scan3A_80 : i32
    %scan3A_82 = arith.constant 1 : i32
    scf.for %scan3A_155 = %scan3A to %scan3A_81 step %scan3A_82  : i32 {
      %mul3A_156 = arith.constant 4 : i32
      %mul3A_157 = arith.muli %scan3A_155, %mul3A_156 : i32
      %add3A_158 = arith.constant 0 : i32
      %add3A_159 = arith.addi %add3A_158, %mul3A_157 : i32
      %add3A_160 = arith.constant 0 : i32
      %add3A_161 = arith.addi %add3A_159, %add3A_160 : i32
      %add3A_162 = arith.constant 4 : i32
      %add3A_163 = arith.addi %add3A_161, %add3A_162 : i32
      %sub3A = arith.constant 1 : i32
      %sub3A_164 = arith.subi %add3A_163, %sub3A : i32
      %lt3A = arith.constant 32 : i32
      %lt3A_165 = arith.cmpi slt, %sub3A_164, %lt3A : i32
      %convert_element_type3A = arith.extui %lt3A_165 : i1 to i32
      %cond3A = arith.constant 0 : i32
      %cond3A_166 = arith.cmpi ne, %convert_element_type3A, %cond3A : i32
      scf.if %cond3A_166 {
        %ge3A = arith.constant 1 : i32
        %ge3A_416 = arith.cmpi sge, %add3A_161, %ge3A : i32
        %convert_element_type3A_417 = arith.extui %ge3A_416 : i1 to i32
        %cond3A_418 = arith.constant 0 : i32
        %cond3A_419 = arith.cmpi ne, %convert_element_type3A_417, %cond3A_418 : i32
        scf.if %cond3A_419 {
          %sub3A_450 = arith.constant 1 : i32
          %sub3A_451 = arith.subi %add3A_161, %sub3A_450 : i32
          %mul3A_452 = arith.constant 200 : i32
          %mul3A_453 = arith.muli %sub3A_451, %mul3A_452 : i32
          %add3A_454 = arith.addi %mul3A_2, %mul3A_453 : i32
          %dma_wait3A_455 = arith.constant 3 : i32
          %dma_wait3A_456 = arith.constant 3 : i32
          %dma_wait3A_457 = arith.constant 0 : i32
          %dma_wait3A_458 = arith.constant 0 : i32
          %dma_wait3A_459 = tpu.memref_slice %arg8[%dma_wait3A_455, %dma_wait3A_457, %dma_wait3A_458] : memref<4x200x128xf32, #tpu.memory_space<vmem>> -> memref<1x200x128xf32, #tpu.memory_space<vmem>>
          %dma_wait3A_460 = tpu.memref_squeeze %dma_wait3A_459 : memref<1x200x128xf32, #tpu.memory_space<vmem>> -> memref<200x128xf32, #tpu.memory_space<vmem>>
          %dma_wait3A_461 = arith.constant 0 : i32
          %dma_wait3A_462 = tpu.memref_slice %arg5[%add3A_454, %dma_wait3A_461] : memref<204800x128xf32, #tpu.memory_space<hbm>> -> memref<200x128xf32, #tpu.memory_space<hbm>>
          %dma_wait3A_463 = tpu.memref_slice %arg10[%dma_wait3A_456] : memref<4x!tpu.dma_semaphore, #tpu.memory_space<semaphore_mem>> -> memref<1x!tpu.dma_semaphore, #tpu.memory_space<semaphore_mem>>
          %dma_wait3A_464 = tpu.memref_squeeze %dma_wait3A_463 : memref<1x!tpu.dma_semaphore, #tpu.memory_space<semaphore_mem>> -> memref<!tpu.dma_semaphore, #tpu.memory_space<semaphore_mem>>
          %dma_wait3A_465 = arith.constant 0 : i32
          %dma_wait3A_466 = tpu.memref_slice %arg5[%add3A_454, %dma_wait3A_465] : memref<204800x128xf32, #tpu.memory_space<hbm>> -> memref<200x128xf32, #tpu.memory_space<hbm>>
          %dma_wait3A_467 = arith.constant 0 : i32
          %dma_wait3A_468 = arith.constant 0 : i32
          %dma_wait3A_469 = tpu.memref_slice %arg8[%dma_wait3A_455, %dma_wait3A_467, %dma_wait3A_468] : memref<4x200x128xf32, #tpu.memory_space<vmem>> -> memref<1x200x128xf32, #tpu.memory_space<vmem>>
          %dma_wait3A_470 = tpu.memref_squeeze %dma_wait3A_469 : memref<1x200x128xf32, #tpu.memory_space<vmem>> -> memref<200x128xf32, #tpu.memory_space<vmem>>
          tpu.wait_dma2 semaphore(%dma_wait3A_464 : memref<!tpu.dma_semaphore, #tpu.memory_space<semaphore_mem>>) src(%dma_wait3A_470 : memref<200x128xf32, #tpu.memory_space<vmem>>) dst(%dma_wait3A_466 : memref<200x128xf32, #tpu.memory_space<hbm>>)
        } else {
        }
        %mul3A_420 = arith.constant 200 : i32
        %mul3A_421 = arith.muli %sub3A_164, %mul3A_420 : i32
        %mul3A_422 = arith.constant 200 : i32
        %mul3A_423 = arith.muli %sub3A_164, %mul3A_422 : i32
        %add3A_424 = arith.constant 128 : i32
        %add3A_425 = arith.addi %mul3A_423, %add3A_424 : i32
        %dma_start3A_426 = arith.constant 3 : i32
        %dma_start3A_427 = arith.constant 3 : i32
        %dma_start3A_428 = arith.constant 0 : i32
        %dma_start3A_429 = arith.constant 0 : i32
        %dma_start3A_430 = tpu.memref_slice %arg8[%dma_start3A_426, %dma_start3A_428, %dma_start3A_429] : memref<4x200x128xf32, #tpu.memory_space<vmem>> -> memref<1x128x128xf32, #tpu.memory_space<vmem>>
        %dma_start3A_431 = tpu.memref_squeeze %dma_start3A_430 : memref<1x128x128xf32, #tpu.memory_space<vmem>> -> memref<128x128xf32, #tpu.memory_space<vmem>>
        %dma_start3A_432 = tpu.memref_slice %arg6[%mul3A_421] : memref<6400xi32, #tpu.memory_space<vmem>> -> memref<128xi32, #tpu.memory_space<vmem>>
        %dma_start3A_433 = arith.constant 0 : i32
        %dma_start3A_434 = arith.constant 0 : i32
        %dma_start3A_435 = tpu.memref_slice %arg2[%dma_start3A_433, %dma_start3A_434] : memref<1000000x128xf32, #tpu.memory_space<hbm>> -> memref<1000000x128xf32, #tpu.memory_space<hbm>>
        %dma_start3A_436 = tpu.memref_slice %arg9[%dma_start3A_427] : memref<4x!tpu.dma_semaphore, #tpu.memory_space<semaphore_mem>> -> memref<1x!tpu.dma_semaphore, #tpu.memory_space<semaphore_mem>>
        %dma_start3A_437 = tpu.memref_squeeze %dma_start3A_436 : memref<1x!tpu.dma_semaphore, #tpu.memory_space<semaphore_mem>> -> memref<!tpu.dma_semaphore, #tpu.memory_space<semaphore_mem>>
        tpu.enqueue_indirect_dma source(%dma_start3A_435 : memref<1000000x128xf32, #tpu.memory_space<hbm>>) target(%dma_start3A_431 : memref<128x128xf32, #tpu.memory_space<vmem>>) offsets(%dma_start3A_432 : memref<128xi32, #tpu.memory_space<vmem>>) semaphore(%dma_start3A_437 : memref<!tpu.dma_semaphore, #tpu.memory_space<semaphore_mem>>)
        %dma_start3A_438 = arith.constant 3 : i32
        %dma_start3A_439 = arith.constant 3 : i32
        %dma_start3A_440 = arith.constant 128 : i32
        %dma_start3A_441 = arith.constant 0 : i32
        %dma_start3A_442 = tpu.memref_slice %arg8[%dma_start3A_438, %dma_start3A_440, %dma_start3A_441] : memref<4x200x128xf32, #tpu.memory_space<vmem>> -> memref<1x72x128xf32, #tpu.memory_space<vmem>>
        %dma_start3A_443 = tpu.memref_squeeze %dma_start3A_442 : memref<1x72x128xf32, #tpu.memory_space<vmem>> -> memref<72x128xf32, #tpu.memory_space<vmem>>
        %dma_start3A_444 = tpu.memref_slice %arg6[%add3A_425] : memref<6400xi32, #tpu.memory_space<vmem>> -> memref<72xi32, #tpu.memory_space<vmem>>
        %dma_start3A_445 = arith.constant 0 : i32
        %dma_start3A_446 = arith.constant 0 : i32
        %dma_start3A_447 = tpu.memref_slice %arg2[%dma_start3A_445, %dma_start3A_446] : memref<1000000x128xf32, #tpu.memory_space<hbm>> -> memref<1000000x128xf32, #tpu.memory_space<hbm>>
        %dma_start3A_448 = tpu.memref_slice %arg9[%dma_start3A_439] : memref<4x!tpu.dma_semaphore, #tpu.memory_space<semaphore_mem>> -> memref<1x!tpu.dma_semaphore, #tpu.memory_space<semaphore_mem>>
        %dma_start3A_449 = tpu.memref_squeeze %dma_start3A_448 : memref<1x!tpu.dma_semaphore, #tpu.memory_space<semaphore_mem>> -> memref<!tpu.dma_semaphore, #tpu.memory_space<semaphore_mem>>
        tpu.enqueue_indirect_dma source(%dma_start3A_447 : memref<1000000x128xf32, #tpu.memory_space<hbm>>) target(%dma_start3A_443 : memref<72x128xf32, #tpu.memory_space<vmem>>) offsets(%dma_start3A_444 : memref<72xi32, #tpu.memory_space<vmem>>) semaphore(%dma_start3A_449 : memref<!tpu.dma_semaphore, #tpu.memory_space<semaphore_mem>>)
      } else {
      }
      %mul3A_167 = arith.constant 200 : i32
      %mul3A_168 = arith.muli %add3A_161, %mul3A_167 : i32
      %mul3A_169 = arith.constant 200 : i32
      %mul3A_170 = arith.muli %add3A_161, %mul3A_169 : i32
      %add3A_171 = arith.constant 128 : i32
      %add3A_172 = arith.addi %mul3A_170, %add3A_171 : i32
      %dma_wait3A_173 = arith.constant 0 : i32
      %dma_wait3A_174 = arith.constant 0 : i32
      %dma_wait3A_175 = arith.constant 0 : i32
      %dma_wait3A_176 = arith.constant 0 : i32
      %dma_wait3A_177 = tpu.memref_slice %arg8[%dma_wait3A_173, %dma_wait3A_175, %dma_wait3A_176] : memref<4x200x128xf32, #tpu.memory_space<vmem>> -> memref<1x128x128xf32, #tpu.memory_space<vmem>>
      %dma_wait3A_178 = tpu.memref_squeeze %dma_wait3A_177 : memref<1x128x128xf32, #tpu.memory_space<vmem>> -> memref<128x128xf32, #tpu.memory_space<vmem>>
      %dma_wait3A_179 = tpu.memref_slice %arg6[%mul3A_168] : memref<6400xi32, #tpu.memory_space<vmem>> -> memref<128xi32, #tpu.memory_space<vmem>>
      %dma_wait3A_180 = arith.constant 0 : i32
      %dma_wait3A_181 = arith.constant 0 : i32
      %dma_wait3A_182 = tpu.memref_slice %arg2[%dma_wait3A_180, %dma_wait3A_181] : memref<1000000x128xf32, #tpu.memory_space<hbm>> -> memref<1000000x128xf32, #tpu.memory_space<hbm>>
      %dma_wait3A_183 = tpu.memref_slice %arg9[%dma_wait3A_174] : memref<4x!tpu.dma_semaphore, #tpu.memory_space<semaphore_mem>> -> memref<1x!tpu.dma_semaphore, #tpu.memory_space<semaphore_mem>>
      %dma_wait3A_184 = tpu.memref_squeeze %dma_wait3A_183 : memref<1x!tpu.dma_semaphore, #tpu.memory_space<semaphore_mem>> -> memref<!tpu.dma_semaphore, #tpu.memory_space<semaphore_mem>>
      tpu.wait_indirect_dma semaphore(%dma_wait3A_184 : memref<!tpu.dma_semaphore, #tpu.memory_space<semaphore_mem>>) src(%dma_wait3A_182 : memref<1000000x128xf32, #tpu.memory_space<hbm>>) dst(%dma_wait3A_178 : memref<128x128xf32, #tpu.memory_space<vmem>>)
      %dma_wait3A_185 = arith.constant 0 : i32
      %dma_wait3A_186 = arith.constant 0 : i32
      %dma_wait3A_187 = arith.constant 128 : i32
      %dma_wait3A_188 = arith.constant 0 : i32
      %dma_wait3A_189 = tpu.memref_slice %arg8[%dma_wait3A_185, %dma_wait3A_187, %dma_wait3A_188] : memref<4x200x128xf32, #tpu.memory_space<vmem>> -> memref<1x72x128xf32, #tpu.memory_space<vmem>>
      %dma_wait3A_190 = tpu.memref_squeeze %dma_wait3A_189 : memref<1x72x128xf32, #tpu.memory_space<vmem>> -> memref<72x128xf32, #tpu.memory_space<vmem>>
      %dma_wait3A_191 = tpu.memref_slice %arg6[%add3A_172] : memref<6400xi32, #tpu.memory_space<vmem>> -> memref<72xi32, #tpu.memory_space<vmem>>
      %dma_wait3A_192 = arith.constant 0 : i32
      %dma_wait3A_193 = arith.constant 0 : i32
      %dma_wait3A_194 = tpu.memref_slice %arg2[%dma_wait3A_192, %dma_wait3A_193] : memref<1000000x128xf32, #tpu.memory_space<hbm>> -> memref<1000000x128xf32, #tpu.memory_space<hbm>>
      %dma_wait3A_195 = tpu.memref_slice %arg9[%dma_wait3A_186] : memref<4x!tpu.dma_semaphore, #tpu.memory_space<semaphore_mem>> -> memref<1x!tpu.dma_semaphore, #tpu.memory_space<semaphore_mem>>
      %dma_wait3A_196 = tpu.memref_squeeze %dma_wait3A_195 : memref<1x!tpu.dma_semaphore, #tpu.memory_space<semaphore_mem>> -> memref<!tpu.dma_semaphore, #tpu.memory_space<semaphore_mem>>
      tpu.wait_indirect_dma semaphore(%dma_wait3A_196 : memref<!tpu.dma_semaphore, #tpu.memory_space<semaphore_mem>>) src(%dma_wait3A_194 : memref<1000000x128xf32, #tpu.memory_space<hbm>>) dst(%dma_wait3A_190 : memref<72x128xf32, #tpu.memory_space<vmem>>)
      %scan3A_197 = arith.constant 0 : i32
      %scan3A_198 = arith.constant 200 : i32
      %scan3A_199 = arith.addi %scan3A_197, %scan3A_198 : i32
      %scan3A_200 = arith.constant 1 : i32
      scf.for %scan3A_416 = %scan3A_197 to %scan3A_199 step %scan3A_200  : i32 {
        %mul3A_417 = arith.constant 1 : i32
        %mul3A_418 = arith.muli %scan3A_416, %mul3A_417 : i32
        %add3A_419 = arith.constant 0 : i32
        %add3A_420 = arith.addi %add3A_419, %mul3A_418 : i32
        %get3A = arith.constant 0 : i32
        %get3A_421 = arith.index_cast %get3A : i32 to index
        %get3A_422 = arith.index_cast %add3A_420 : i32 to index
        %get3A_423 = arith.constant 0 : index
        %get3A_424 = tpu.vector_load %arg8[%get3A_421, %get3A_422, %get3A_423] {strides = array<i32>} : memref<4x200x128xf32, #tpu.memory_space<vmem>>, vector<1x1x16xf32>,
        %get3A_425 = vector.shape_cast %get3A_424 : vector<1x1x16xf32> to vector<16xf32>
        %mul3A_426 = arith.constant 64 : i32
        %mul3A_427 = arith.muli %add3A_420, %mul3A_426 : i32
        %add3A_428 = arith.constant 0 : i32
        %add3A_429 = arith.addi %mul3A_427, %add3A_428 : i32
        %get3A_430 = arith.index_cast %add3A_429 : i32 to index
        %get3A_431 = tpu.vector_load %arg7[%get3A_430] {strides = array<i32>} : memref<12800xf32, #tpu.memory_space<vmem>>, vector<16xf32>,
        %get3A_432 = vector.shape_cast %get3A_431 : vector<16xf32> to vector<16xf32>
        %add3A_433 = arith.addf %get3A_425, %get3A_432 : vector<16xf32>
        %swap3A = arith.constant 0 : i32
        %swap3A_434 = arith.index_cast %swap3A : i32 to index
        %swap3A_435 = arith.index_cast %add3A_420 : i32 to index
        %swap3A_436 = arith.constant 0 : index
        %swap3A_437 = tpu.vector_load %arg8[%swap3A_434, %swap3A_435, %swap3A_436] {strides = array<i32>} : memref<4x200x128xf32, #tpu.memory_space<vmem>>, vector<1x1x16xf32>,
        %swap3A_438 = vector.shape_cast %swap3A_437 : vector<1x1x16xf32> to vector<16xf32>
        %swap3A_439 = vector.shape_cast %add3A_433 : vector<16xf32> to vector<1x1x16xf32>
        tpu.vector_store %arg8[%swap3A_434, %swap3A_435, %swap3A_436], %swap3A_439 {strides = array<i32>} : memref<4x200x128xf32, #tpu.memory_space<vmem>>, vector<1x1x16xf32>,
        %get3A_440 = arith.constant 0 : i32
        %get3A_441 = arith.index_cast %get3A_440 : i32 to index
        %get3A_442 = arith.index_cast %add3A_420 : i32 to index
        %get3A_443 = arith.constant 16 : index
        %get3A_444 = tpu.vector_load %arg8[%get3A_441, %get3A_442, %get3A_443] {strides = array<i32>} : memref<4x200x128xf32, #tpu.memory_space<vmem>>, vector<1x1x16xf32>,
        %get3A_445 = vector.shape_cast %get3A_444 : vector<1x1x16xf32> to vector<16xf32>
        %mul3A_446 = arith.constant 64 : i32
        %mul3A_447 = arith.muli %add3A_420, %mul3A_446 : i32
        %add3A_448 = arith.constant 16 : i32
        %add3A_449 = arith.addi %mul3A_447, %add3A_448 : i32
        %get3A_450 = arith.index_cast %add3A_449 : i32 to index
        %get3A_451 = tpu.vector_load %arg7[%get3A_450] {strides = array<i32>} : memref<12800xf32, #tpu.memory_space<vmem>>, vector<16xf32>,
        %get3A_452 = vector.shape_cast %get3A_451 : vector<16xf32> to vector<16xf32>
        %add3A_453 = arith.addf %get3A_445, %get3A_452 : vector<16xf32>
        %swap3A_454 = arith.constant 0 : i32
        %swap3A_455 = arith.index_cast %swap3A_454 : i32 to index
        %swap3A_456 = arith.index_cast %add3A_420 : i32 to index
        %swap3A_457 = arith.constant 16 : index
        %swap3A_458 = tpu.vector_load %arg8[%swap3A_455, %swap3A_456, %swap3A_457] {strides = array<i32>} : memref<4x200x128xf32, #tpu.memory_space<vmem>>, vector<1x1x16xf32>,
        %swap3A_459 = vector.shape_cast %swap3A_458 : vector<1x1x16xf32> to vector<16xf32>
        %swap3A_460 = vector.shape_cast %add3A_453 : vector<16xf32> to vector<1x1x16xf32>
        tpu.vector_store %arg8[%swap3A_455, %swap3A_456, %swap3A_457], %swap3A_460 {strides = array<i32>} : memref<4x200x128xf32, #tpu.memory_space<vmem>>, vector<1x1x16xf32>,
        %get3A_461 = arith.constant 0 : i32
        %get3A_462 = arith.index_cast %get3A_461 : i32 to index
        %get3A_463 = arith.index_cast %add3A_420 : i32 to index
        %get3A_464 = arith.constant 32 : index
        %get3A_465 = tpu.vector_load %arg8[%get3A_462, %get3A_463, %get3A_464] {strides = array<i32>} : memref<4x200x128xf32, #tpu.memory_space<vmem>>, vector<1x1x16xf32>,
        %get3A_466 = vector.shape_cast %get3A_465 : vector<1x1x16xf32> to vector<16xf32>
        %mul3A_467 = arith.constant 64 : i32
        %mul3A_468 = arith.muli %add3A_420, %mul3A_467 : i32
        %add3A_469 = arith.constant 32 : i32
        %add3A_470 = arith.addi %mul3A_468, %add3A_469 : i32
        %get3A_471 = arith.index_cast %add3A_470 : i32 to index
        %get3A_472 = tpu.vector_load %arg7[%get3A_471] {strides = array<i32>} : memref<12800xf32, #tpu.memory_space<vmem>>, vector<16xf32>,
        %get3A_473 = vector.shape_cast %get3A_472 : vector<16xf32> to vector<16xf32>
        %add3A_474 = arith.addf %get3A_466, %get3A_473 : vector<16xf32>
        %swap3A_475 = arith.constant 0 : i32
        %swap3A_476 = arith.index_cast %swap3A_475 : i32 to index
        %swap3A_477 = arith.index_cast %add3A_420 : i32 to index
        %swap3A_478 = arith.constant 32 : index
        %swap3A_479 = tpu.vector_load %arg8[%swap3A_476, %swap3A_477, %swap3A_478] {strides = array<i32>} : memref<4x200x128xf32, #tpu.memory_space<vmem>>, vector<1x1x16xf32>,
        %swap3A_480 = vector.shape_cast %swap3A_479 : vector<1x1x16xf32> to vector<16xf32>
        %swap3A_481 = vector.shape_cast %add3A_474 : vector<16xf32> to vector<1x1x16xf32>
        tpu.vector_store %arg8[%swap3A_476, %swap3A_477, %swap3A_478], %swap3A_481 {strides = array<i32>} : memref<4x200x128xf32, #tpu.memory_space<vmem>>, vector<1x1x16xf32>,
        %get3A_482 = arith.constant 0 : i32
        %get3A_483 = arith.index_cast %get3A_482 : i32 to index
        %get3A_484 = arith.index_cast %add3A_420 : i32 to index
        %get3A_485 = arith.constant 48 : index
        %get3A_486 = tpu.vector_load %arg8[%get3A_483, %get3A_484, %get3A_485] {strides = array<i32>} : memref<4x200x128xf32, #tpu.memory_space<vmem>>, vector<1x1x16xf32>,
        %get3A_487 = vector.shape_cast %get3A_486 : vector<1x1x16xf32> to vector<16xf32>
        %mul3A_488 = arith.constant 64 : i32
        %mul3A_489 = arith.muli %add3A_420, %mul3A_488 : i32
        %add3A_490 = arith.constant 48 : i32
        %add3A_491 = arith.addi %mul3A_489, %add3A_490 : i32
        %get3A_492 = arith.index_cast %add3A_491 : i32 to index
        %get3A_493 = tpu.vector_load %arg7[%get3A_492] {strides = array<i32>} : memref<12800xf32, #tpu.memory_space<vmem>>, vector<16xf32>,
        %get3A_494 = vector.shape_cast %get3A_493 : vector<16xf32> to vector<16xf32>
        %add3A_495 = arith.addf %get3A_487, %get3A_494 : vector<16xf32>
        %swap3A_496 = arith.constant 0 : i32
        %swap3A_497 = arith.index_cast %swap3A_496 : i32 to index
        %swap3A_498 = arith.index_cast %add3A_420 : i32 to index
        %swap3A_499 = arith.constant 48 : index
        %swap3A_500 = tpu.vector_load %arg8[%swap3A_497, %swap3A_498, %swap3A_499] {strides = array<i32>} : memref<4x200x128xf32, #tpu.memory_space<vmem>>, vector<1x1x16xf32>,
        %swap3A_501 = vector.shape_cast %swap3A_500 : vector<1x1x16xf32> to vector<16xf32>
        %swap3A_502 = vector.shape_cast %add3A_495 : vector<16xf32> to vector<1x1x16xf32>
        tpu.vector_store %arg8[%swap3A_497, %swap3A_498, %swap3A_499], %swap3A_502 {strides = array<i32>} : memref<4x200x128xf32, #tpu.memory_space<vmem>>, vector<1x1x16xf32>,
      }
      %scan3A_201 = arith.constant 200 : i32
      %mul3A_202 = arith.constant 200 : i32
      %mul3A_203 = arith.muli %add3A_161, %mul3A_202 : i32
      %add3A_204 = arith.addi %mul3A_2, %mul3A_203 : i32
      %dma_start3A_205 = arith.constant 0 : i32
      %dma_start3A_206 = arith.constant 0 : i32
      %dma_start3A_207 = arith.constant 0 : i32
      %dma_start3A_208 = arith.constant 0 : i32
      %dma_start3A_209 = tpu.memref_slice %arg8[%dma_start3A_205, %dma_start3A_207, %dma_start3A_208] : memref<4x200x128xf32, #tpu.memory_space<vmem>> -> memref<1x200x128xf32, #tpu.memory_space<vmem>>
      %dma_start3A_210 = tpu.memref_squeeze %dma_start3A_209 : memref<1x200x128xf32, #tpu.memory_space<vmem>> -> memref<200x128xf32, #tpu.memory_space<vmem>>
      %dma_start3A_211 = arith.constant 0 : i32
      %dma_start3A_212 = tpu.memref_slice %arg5[%add3A_204, %dma_start3A_211] : memref<204800x128xf32, #tpu.memory_space<hbm>> -> memref<200x128xf32, #tpu.memory_space<hbm>>
      %dma_start3A_213 = tpu.memref_slice %arg10[%dma_start3A_206] : memref<4x!tpu.dma_semaphore, #tpu.memory_space<semaphore_mem>> -> memref<1x!tpu.dma_semaphore, #tpu.memory_space<semaphore_mem>>
      %dma_start3A_214 = tpu.memref_squeeze %dma_start3A_213 : memref<1x!tpu.dma_semaphore, #tpu.memory_space<semaphore_mem>> -> memref<!tpu.dma_semaphore, #tpu.memory_space<semaphore_mem>>
      %dma_start3A_215 = arith.constant 0 : i32
      %dma_start3A_216 = tpu.memref_slice %arg5[%add3A_204, %dma_start3A_215] : memref<204800x128xf32, #tpu.memory_space<hbm>> -> memref<200x128xf32, #tpu.memory_space<hbm>>
      %dma_start3A_217 = arith.constant 0 : i32
      %dma_start3A_218 = arith.constant 0 : i32
      %dma_start3A_219 = tpu.memref_slice %arg8[%dma_start3A_205, %dma_start3A_217, %dma_start3A_218] : memref<4x200x128xf32, #tpu.memory_space<vmem>> -> memref<1x200x128xf32, #tpu.memory_space<vmem>>
      %dma_start3A_220 = tpu.memref_squeeze %dma_start3A_219 : memref<1x200x128xf32, #tpu.memory_space<vmem>> -> memref<200x128xf32, #tpu.memory_space<vmem>>
      tpu.enqueue_dma source(%dma_start3A_220 : memref<200x128xf32, #tpu.memory_space<vmem>>) target(%dma_start3A_216 : memref<200x128xf32, #tpu.memory_space<hbm>>) target_semaphore(%dma_start3A_214 : memref<!tpu.dma_semaphore, #tpu.memory_space<semaphore_mem>>)
      %add3A_221 = arith.constant 1 : i32
      %add3A_222 = arith.addi %add3A_159, %add3A_221 : i32
      %add3A_223 = arith.constant 4 : i32
      %add3A_224 = arith.addi %add3A_222, %add3A_223 : i32
      %sub3A_225 = arith.constant 1 : i32
      %sub3A_226 = arith.subi %add3A_224, %sub3A_225 : i32
      %lt3A_227 = arith.constant 32 : i32
      %lt3A_228 = arith.cmpi slt, %sub3A_226, %lt3A_227 : i32
      %convert_element_type3A_229 = arith.extui %lt3A_228 : i1 to i32
      %cond3A_230 = arith.constant 0 : i32
      %cond3A_231 = arith.cmpi ne, %convert_element_type3A_229, %cond3A_230 : i32
      scf.if %cond3A_231 {
        %ge3A = arith.constant 1 : i32
        %ge3A_416 = arith.cmpi sge, %add3A_222, %ge3A : i32
        %convert_element_type3A_417 = arith.extui %ge3A_416 : i1 to i32
        %cond3A_418 = arith.constant 0 : i32
        %cond3A_419 = arith.cmpi ne, %convert_element_type3A_417, %cond3A_418 : i32
        scf.if %cond3A_419 {
          %sub3A_450 = arith.constant 1 : i32
          %sub3A_451 = arith.subi %add3A_222, %sub3A_450 : i32
          %mul3A_452 = arith.constant 200 : i32
          %mul3A_453 = arith.muli %sub3A_451, %mul3A_452 : i32
          %add3A_454 = arith.addi %mul3A_2, %mul3A_453 : i32
          %dma_wait3A_455 = arith.constant 0 : i32
          %dma_wait3A_456 = arith.constant 0 : i32
          %dma_wait3A_457 = arith.constant 0 : i32
          %dma_wait3A_458 = arith.constant 0 : i32
          %dma_wait3A_459 = tpu.memref_slice %arg8[%dma_wait3A_455, %dma_wait3A_457, %dma_wait3A_458] : memref<4x200x128xf32, #tpu.memory_space<vmem>> -> memref<1x200x128xf32, #tpu.memory_space<vmem>>
          %dma_wait3A_460 = tpu.memref_squeeze %dma_wait3A_459 : memref<1x200x128xf32, #tpu.memory_space<vmem>> -> memref<200x128xf32, #tpu.memory_space<vmem>>
          %dma_wait3A_461 = arith.constant 0 : i32
          %dma_wait3A_462 = tpu.memref_slice %arg5[%add3A_454, %dma_wait3A_461] : memref<204800x128xf32, #tpu.memory_space<hbm>> -> memref<200x128xf32, #tpu.memory_space<hbm>>
          %dma_wait3A_463 = tpu.memref_slice %arg10[%dma_wait3A_456] : memref<4x!tpu.dma_semaphore, #tpu.memory_space<semaphore_mem>> -> memref<1x!tpu.dma_semaphore, #tpu.memory_space<semaphore_mem>>
          %dma_wait3A_464 = tpu.memref_squeeze %dma_wait3A_463 : memref<1x!tpu.dma_semaphore, #tpu.memory_space<semaphore_mem>> -> memref<!tpu.dma_semaphore, #tpu.memory_space<semaphore_mem>>
          %dma_wait3A_465 = arith.constant 0 : i32
          %dma_wait3A_466 = tpu.memref_slice %arg5[%add3A_454, %dma_wait3A_465] : memref<204800x128xf32, #tpu.memory_space<hbm>> -> memref<200x128xf32, #tpu.memory_space<hbm>>
          %dma_wait3A_467 = arith.constant 0 : i32
          %dma_wait3A_468 = arith.constant 0 : i32
          %dma_wait3A_469 = tpu.memref_slice %arg8[%dma_wait3A_455, %dma_wait3A_467, %dma_wait3A_468] : memref<4x200x128xf32, #tpu.memory_space<vmem>> -> memref<1x200x128xf32, #tpu.memory_space<vmem>>
          %dma_wait3A_470 = tpu.memref_squeeze %dma_wait3A_469 : memref<1x200x128xf32, #tpu.memory_space<vmem>> -> memref<200x128xf32, #tpu.memory_space<vmem>>
          tpu.wait_dma2 semaphore(%dma_wait3A_464 : memref<!tpu.dma_semaphore, #tpu.memory_space<semaphore_mem>>) src(%dma_wait3A_470 : memref<200x128xf32, #tpu.memory_space<vmem>>) dst(%dma_wait3A_466 : memref<200x128xf32, #tpu.memory_space<hbm>>)
        } else {
        }
        %mul3A_420 = arith.constant 200 : i32
        %mul3A_421 = arith.muli %sub3A_226, %mul3A_420 : i32
        %mul3A_422 = arith.constant 200 : i32
        %mul3A_423 = arith.muli %sub3A_226, %mul3A_422 : i32
        %add3A_424 = arith.constant 128 : i32
        %add3A_425 = arith.addi %mul3A_423, %add3A_424 : i32
        %dma_start3A_426 = arith.constant 0 : i32
        %dma_start3A_427 = arith.constant 0 : i32
        %dma_start3A_428 = arith.constant 0 : i32
        %dma_start3A_429 = arith.constant 0 : i32
        %dma_start3A_430 = tpu.memref_slice %arg8[%dma_start3A_426, %dma_start3A_428, %dma_start3A_429] : memref<4x200x128xf32, #tpu.memory_space<vmem>> -> memref<1x128x128xf32, #tpu.memory_space<vmem>>
        %dma_start3A_431 = tpu.memref_squeeze %dma_start3A_430 : memref<1x128x128xf32, #tpu.memory_space<vmem>> -> memref<128x128xf32, #tpu.memory_space<vmem>>
        %dma_start3A_432 = tpu.memref_slice %arg6[%mul3A_421] : memref<6400xi32, #tpu.memory_space<vmem>> -> memref<128xi32, #tpu.memory_space<vmem>>
        %dma_start3A_433 = arith.constant 0 : i32
        %dma_start3A_434 = arith.constant 0 : i32
        %dma_start3A_435 = tpu.memref_slice %arg2[%dma_start3A_433, %dma_start3A_434] : memref<1000000x128xf32, #tpu.memory_space<hbm>> -> memref<1000000x128xf32, #tpu.memory_space<hbm>>
        %dma_start3A_436 = tpu.memref_slice %arg9[%dma_start3A_427] : memref<4x!tpu.dma_semaphore, #tpu.memory_space<semaphore_mem>> -> memref<1x!tpu.dma_semaphore, #tpu.memory_space<semaphore_mem>>
        %dma_start3A_437 = tpu.memref_squeeze %dma_start3A_436 : memref<1x!tpu.dma_semaphore, #tpu.memory_space<semaphore_mem>> -> memref<!tpu.dma_semaphore, #tpu.memory_space<semaphore_mem>>
        tpu.enqueue_indirect_dma source(%dma_start3A_435 : memref<1000000x128xf32, #tpu.memory_space<hbm>>) target(%dma_start3A_431 : memref<128x128xf32, #tpu.memory_space<vmem>>) offsets(%dma_start3A_432 : memref<128xi32, #tpu.memory_space<vmem>>) semaphore(%dma_start3A_437 : memref<!tpu.dma_semaphore, #tpu.memory_space<semaphore_mem>>)
        %dma_start3A_438 = arith.constant 0 : i32
        %dma_start3A_439 = arith.constant 0 : i32
        %dma_start3A_440 = arith.constant 128 : i32
        %dma_start3A_441 = arith.constant 0 : i32
        %dma_start3A_442 = tpu.memref_slice %arg8[%dma_start3A_438, %dma_start3A_440, %dma_start3A_441] : memref<4x200x128xf32, #tpu.memory_space<vmem>> -> memref<1x72x128xf32, #tpu.memory_space<vmem>>
        %dma_start3A_443 = tpu.memref_squeeze %dma_start3A_442 : memref<1x72x128xf32, #tpu.memory_space<vmem>> -> memref<72x128xf32, #tpu.memory_space<vmem>>
        %dma_start3A_444 = tpu.memref_slice %arg6[%add3A_425] : memref<6400xi32, #tpu.memory_space<vmem>> -> memref<72xi32, #tpu.memory_space<vmem>>
        %dma_start3A_445 = arith.constant 0 : i32
        %dma_start3A_446 = arith.constant 0 : i32
        %dma_start3A_447 = tpu.memref_slice %arg2[%dma_start3A_445, %dma_start3A_446] : memref<1000000x128xf32, #tpu.memory_space<hbm>> -> memref<1000000x128xf32, #tpu.memory_space<hbm>>
        %dma_start3A_448 = tpu.memref_slice %arg9[%dma_start3A_439] : memref<4x!tpu.dma_semaphore, #tpu.memory_space<semaphore_mem>> -> memref<1x!tpu.dma_semaphore, #tpu.memory_space<semaphore_mem>>
        %dma_start3A_449 = tpu.memref_squeeze %dma_start3A_448 : memref<1x!tpu.dma_semaphore, #tpu.memory_space<semaphore_mem>> -> memref<!tpu.dma_semaphore, #tpu.memory_space<semaphore_mem>>
        tpu.enqueue_indirect_dma source(%dma_start3A_447 : memref<1000000x128xf32, #tpu.memory_space<hbm>>) target(%dma_start3A_443 : memref<72x128xf32, #tpu.memory_space<vmem>>) offsets(%dma_start3A_444 : memref<72xi32, #tpu.memory_space<vmem>>) semaphore(%dma_start3A_449 : memref<!tpu.dma_semaphore, #tpu.memory_space<semaphore_mem>>)
      } else {
      }
      %mul3A_232 = arith.constant 200 : i32
      %mul3A_233 = arith.muli %add3A_222, %mul3A_232 : i32
      %mul3A_234 = arith.constant 200 : i32
      %mul3A_235 = arith.muli %add3A_222, %mul3A_234 : i32
      %add3A_236 = arith.constant 128 : i32
      %add3A_237 = arith.addi %mul3A_235, %add3A_236 : i32
      %dma_wait3A_238 = arith.constant 1 : i32
      %dma_wait3A_239 = arith.constant 1 : i32
      %dma_wait3A_240 = arith.constant 0 : i32
      %dma_wait3A_241 = arith.constant 0 : i32
      %dma_wait3A_242 = tpu.memref_slice %arg8[%dma_wait3A_238, %dma_wait3A_240, %dma_wait3A_241] : memref<4x200x128xf32, #tpu.memory_space<vmem>> -> memref<1x128x128xf32, #tpu.memory_space<vmem>>
      %dma_wait3A_243 = tpu.memref_squeeze %dma_wait3A_242 : memref<1x128x128xf32, #tpu.memory_space<vmem>> -> memref<128x128xf32, #tpu.memory_space<vmem>>
      %dma_wait3A_244 = tpu.memref_slice %arg6[%mul3A_233] : memref<6400xi32, #tpu.memory_space<vmem>> -> memref<128xi32, #tpu.memory_space<vmem>>
      %dma_wait3A_245 = arith.constant 0 : i32
      %dma_wait3A_246 = arith.constant 0 : i32
      %dma_wait3A_247 = tpu.memref_slice %arg2[%dma_wait3A_245, %dma_wait3A_246] : memref<1000000x128xf32, #tpu.memory_space<hbm>> -> memref<1000000x128xf32, #tpu.memory_space<hbm>>
      %dma_wait3A_248 = tpu.memref_slice %arg9[%dma_wait3A_239] : memref<4x!tpu.dma_semaphore, #tpu.memory_space<semaphore_mem>> -> memref<1x!tpu.dma_semaphore, #tpu.memory_space<semaphore_mem>>
      %dma_wait3A_249 = tpu.memref_squeeze %dma_wait3A_248 : memref<1x!tpu.dma_semaphore, #tpu.memory_space<semaphore_mem>> -> memref<!tpu.dma_semaphore, #tpu.memory_space<semaphore_mem>>
      tpu.wait_indirect_dma semaphore(%dma_wait3A_249 : memref<!tpu.dma_semaphore, #tpu.memory_space<semaphore_mem>>) src(%dma_wait3A_247 : memref<1000000x128xf32, #tpu.memory_space<hbm>>) dst(%dma_wait3A_243 : memref<128x128xf32, #tpu.memory_space<vmem>>)
      %dma_wait3A_250 = arith.constant 1 : i32
      %dma_wait3A_251 = arith.constant 1 : i32
      %dma_wait3A_252 = arith.constant 128 : i32
      %dma_wait3A_253 = arith.constant 0 : i32
      %dma_wait3A_254 = tpu.memref_slice %arg8[%dma_wait3A_250, %dma_wait3A_252, %dma_wait3A_253] : memref<4x200x128xf32, #tpu.memory_space<vmem>> -> memref<1x72x128xf32, #tpu.memory_space<vmem>>
      %dma_wait3A_255 = tpu.memref_squeeze %dma_wait3A_254 : memref<1x72x128xf32, #tpu.memory_space<vmem>> -> memref<72x128xf32, #tpu.memory_space<vmem>>
      %dma_wait3A_256 = tpu.memref_slice %arg6[%add3A_237] : memref<6400xi32, #tpu.memory_space<vmem>> -> memref<72xi32, #tpu.memory_space<vmem>>
      %dma_wait3A_257 = arith.constant 0 : i32
      %dma_wait3A_258 = arith.constant 0 : i32
      %dma_wait3A_259 = tpu.memref_slice %arg2[%dma_wait3A_257, %dma_wait3A_258] : memref<1000000x128xf32, #tpu.memory_space<hbm>> -> memref<1000000x128xf32, #tpu.memory_space<hbm>>
      %dma_wait3A_260 = tpu.memref_slice %arg9[%dma_wait3A_251] : memref<4x!tpu.dma_semaphore, #tpu.memory_space<semaphore_mem>> -> memref<1x!tpu.dma_semaphore, #tpu.memory_space<semaphore_mem>>
      %dma_wait3A_261 = tpu.memref_squeeze %dma_wait3A_260 : memref<1x!tpu.dma_semaphore, #tpu.memory_space<semaphore_mem>> -> memref<!tpu.dma_semaphore, #tpu.memory_space<semaphore_mem>>
      tpu.wait_indirect_dma semaphore(%dma_wait3A_261 : memref<!tpu.dma_semaphore, #tpu.memory_space<semaphore_mem>>) src(%dma_wait3A_259 : memref<1000000x128xf32, #tpu.memory_space<hbm>>) dst(%dma_wait3A_255 : memref<72x128xf32, #tpu.memory_space<vmem>>)
      %scan3A_262 = arith.constant 0 : i32
      %scan3A_263 = arith.constant 200 : i32
      %scan3A_264 = arith.addi %scan3A_262, %scan3A_263 : i32
      %scan3A_265 = arith.constant 1 : i32
      scf.for %scan3A_416 = %scan3A_262 to %scan3A_264 step %scan3A_265  : i32 {
        %mul3A_417 = arith.constant 1 : i32
        %mul3A_418 = arith.muli %scan3A_416, %mul3A_417 : i32
        %add3A_419 = arith.constant 0 : i32
        %add3A_420 = arith.addi %add3A_419, %mul3A_418 : i32
        %get3A = arith.constant 1 : i32
        %get3A_421 = arith.index_cast %get3A : i32 to index
        %get3A_422 = arith.index_cast %add3A_420 : i32 to index
        %get3A_423 = arith.constant 0 : index
        %get3A_424 = tpu.vector_load %arg8[%get3A_421, %get3A_422, %get3A_423] {strides = array<i32>} : memref<4x200x128xf32, #tpu.memory_space<vmem>>, vector<1x1x16xf32>,
        %get3A_425 = vector.shape_cast %get3A_424 : vector<1x1x16xf32> to vector<16xf32>
        %mul3A_426 = arith.constant 64 : i32
        %mul3A_427 = arith.muli %add3A_420, %mul3A_426 : i32
        %add3A_428 = arith.constant 0 : i32
        %add3A_429 = arith.addi %mul3A_427, %add3A_428 : i32
        %get3A_430 = arith.index_cast %add3A_429 : i32 to index
        %get3A_431 = tpu.vector_load %arg7[%get3A_430] {strides = array<i32>} : memref<12800xf32, #tpu.memory_space<vmem>>, vector<16xf32>,
        %get3A_432 = vector.shape_cast %get3A_431 : vector<16xf32> to vector<16xf32>
        %add3A_433 = arith.addf %get3A_425, %get3A_432 : vector<16xf32>
        %swap3A = arith.constant 1 : i32
        %swap3A_434 = arith.index_cast %swap3A : i32 to index
        %swap3A_435 = arith.index_cast %add3A_420 : i32 to index
        %swap3A_436 = arith.constant 0 : index
        %swap3A_437 = tpu.vector_load %arg8[%swap3A_434, %swap3A_435, %swap3A_436] {strides = array<i32>} : memref<4x200x128xf32, #tpu.memory_space<vmem>>, vector<1x1x16xf32>,
        %swap3A_438 = vector.shape_cast %swap3A_437 : vector<1x1x16xf32> to vector<16xf32>
        %swap3A_439 = vector.shape_cast %add3A_433 : vector<16xf32> to vector<1x1x16xf32>
        tpu.vector_store %arg8[%swap3A_434, %swap3A_435, %swap3A_436], %swap3A_439 {strides = array<i32>} : memref<4x200x128xf32, #tpu.memory_space<vmem>>, vector<1x1x16xf32>,
        %get3A_440 = arith.constant 1 : i32
        %get3A_441 = arith.index_cast %get3A_440 : i32 to index
        %get3A_442 = arith.index_cast %add3A_420 : i32 to index
        %get3A_443 = arith.constant 16 : index
        %get3A_444 = tpu.vector_load %arg8[%get3A_441, %get3A_442, %get3A_443] {strides = array<i32>} : memref<4x200x128xf32, #tpu.memory_space<vmem>>, vector<1x1x16xf32>,
        %get3A_445 = vector.shape_cast %get3A_444 : vector<1x1x16xf32> to vector<16xf32>
        %mul3A_446 = arith.constant 64 : i32
        %mul3A_447 = arith.muli %add3A_420, %mul3A_446 : i32
        %add3A_448 = arith.constant 16 : i32
        %add3A_449 = arith.addi %mul3A_447, %add3A_448 : i32
        %get3A_450 = arith.index_cast %add3A_449 : i32 to index
        %get3A_451 = tpu.vector_load %arg7[%get3A_450] {strides = array<i32>} : memref<12800xf32, #tpu.memory_space<vmem>>, vector<16xf32>,
        %get3A_452 = vector.shape_cast %get3A_451 : vector<16xf32> to vector<16xf32>
        %add3A_453 = arith.addf %get3A_445, %get3A_452 : vector<16xf32>
        %swap3A_454 = arith.constant 1 : i32
        %swap3A_455 = arith.index_cast %swap3A_454 : i32 to index
        %swap3A_456 = arith.index_cast %add3A_420 : i32 to index
        %swap3A_457 = arith.constant 16 : index
        %swap3A_458 = tpu.vector_load %arg8[%swap3A_455, %swap3A_456, %swap3A_457] {strides = array<i32>} : memref<4x200x128xf32, #tpu.memory_space<vmem>>, vector<1x1x16xf32>,
        %swap3A_459 = vector.shape_cast %swap3A_458 : vector<1x1x16xf32> to vector<16xf32>
        %swap3A_460 = vector.shape_cast %add3A_453 : vector<16xf32> to vector<1x1x16xf32>
        tpu.vector_store %arg8[%swap3A_455, %swap3A_456, %swap3A_457], %swap3A_460 {strides = array<i32>} : memref<4x200x128xf32, #tpu.memory_space<vmem>>, vector<1x1x16xf32>,
        %get3A_461 = arith.constant 1 : i32
        %get3A_462 = arith.index_cast %get3A_461 : i32 to index
        %get3A_463 = arith.index_cast %add3A_420 : i32 to index
        %get3A_464 = arith.constant 32 : index
        %get3A_465 = tpu.vector_load %arg8[%get3A_462, %get3A_463, %get3A_464] {strides = array<i32>} : memref<4x200x128xf32, #tpu.memory_space<vmem>>, vector<1x1x16xf32>,
        %get3A_466 = vector.shape_cast %get3A_465 : vector<1x1x16xf32> to vector<16xf32>
        %mul3A_467 = arith.constant 64 : i32
        %mul3A_468 = arith.muli %add3A_420, %mul3A_467 : i32
        %add3A_469 = arith.constant 32 : i32
        %add3A_470 = arith.addi %mul3A_468, %add3A_469 : i32
        %get3A_471 = arith.index_cast %add3A_470 : i32 to index
        %get3A_472 = tpu.vector_load %arg7[%get3A_471] {strides = array<i32>} : memref<12800xf32, #tpu.memory_space<vmem>>, vector<16xf32>,
        %get3A_473 = vector.shape_cast %get3A_472 : vector<16xf32> to vector<16xf32>
        %add3A_474 = arith.addf %get3A_466, %get3A_473 : vector<16xf32>
        %swap3A_475 = arith.constant 1 : i32
        %swap3A_476 = arith.index_cast %swap3A_475 : i32 to index
        %swap3A_477 = arith.index_cast %add3A_420 : i32 to index
        %swap3A_478 = arith.constant 32 : index
        %swap3A_479 = tpu.vector_load %arg8[%swap3A_476, %swap3A_477, %swap3A_478] {strides = array<i32>} : memref<4x200x128xf32, #tpu.memory_space<vmem>>, vector<1x1x16xf32>,
        %swap3A_480 = vector.shape_cast %swap3A_479 : vector<1x1x16xf32> to vector<16xf32>
        %swap3A_481 = vector.shape_cast %add3A_474 : vector<16xf32> to vector<1x1x16xf32>
        tpu.vector_store %arg8[%swap3A_476, %swap3A_477, %swap3A_478], %swap3A_481 {strides = array<i32>} : memref<4x200x128xf32, #tpu.memory_space<vmem>>, vector<1x1x16xf32>,
        %get3A_482 = arith.constant 1 : i32
        %get3A_483 = arith.index_cast %get3A_482 : i32 to index
        %get3A_484 = arith.index_cast %add3A_420 : i32 to index
        %get3A_485 = arith.constant 48 : index
        %get3A_486 = tpu.vector_load %arg8[%get3A_483, %get3A_484, %get3A_485] {strides = array<i32>} : memref<4x200x128xf32, #tpu.memory_space<vmem>>, vector<1x1x16xf32>,
        %get3A_487 = vector.shape_cast %get3A_486 : vector<1x1x16xf32> to vector<16xf32>
        %mul3A_488 = arith.constant 64 : i32
        %mul3A_489 = arith.muli %add3A_420, %mul3A_488 : i32
        %add3A_490 = arith.constant 48 : i32
        %add3A_491 = arith.addi %mul3A_489, %add3A_490 : i32
        %get3A_492 = arith.index_cast %add3A_491 : i32 to index
        %get3A_493 = tpu.vector_load %arg7[%get3A_492] {strides = array<i32>} : memref<12800xf32, #tpu.memory_space<vmem>>, vector<16xf32>,
        %get3A_494 = vector.shape_cast %get3A_493 : vector<16xf32> to vector<16xf32>
        %add3A_495 = arith.addf %get3A_487, %get3A_494 : vector<16xf32>
        %swap3A_496 = arith.constant 1 : i32
        %swap3A_497 = arith.index_cast %swap3A_496 : i32 to index
        %swap3A_498 = arith.index_cast %add3A_420 : i32 to index
        %swap3A_499 = arith.constant 48 : index
        %swap3A_500 = tpu.vector_load %arg8[%swap3A_497, %swap3A_498, %swap3A_499] {strides = array<i32>} : memref<4x200x128xf32, #tpu.memory_space<vmem>>, vector<1x1x16xf32>,
        %swap3A_501 = vector.shape_cast %swap3A_500 : vector<1x1x16xf32> to vector<16xf32>
        %swap3A_502 = vector.shape_cast %add3A_495 : vector<16xf32> to vector<1x1x16xf32>
        tpu.vector_store %arg8[%swap3A_497, %swap3A_498, %swap3A_499], %swap3A_502 {strides = array<i32>} : memref<4x200x128xf32, #tpu.memory_space<vmem>>, vector<1x1x16xf32>,
      }
      %scan3A_266 = arith.constant 200 : i32
      %mul3A_267 = arith.constant 200 : i32
      %mul3A_268 = arith.muli %add3A_222, %mul3A_267 : i32
      %add3A_269 = arith.addi %mul3A_2, %mul3A_268 : i32
      %dma_start3A_270 = arith.constant 1 : i32
      %dma_start3A_271 = arith.constant 1 : i32
      %dma_start3A_272 = arith.constant 0 : i32
      %dma_start3A_273 = arith.constant 0 : i32
      %dma_start3A_274 = tpu.memref_slice %arg8[%dma_start3A_270, %dma_start3A_272, %dma_start3A_273] : memref<4x200x128xf32, #tpu.memory_space<vmem>> -> memref<1x200x128xf32, #tpu.memory_space<vmem>>
      %dma_start3A_275 = tpu.memref_squeeze %dma_start3A_274 : memref<1x200x128xf32, #tpu.memory_space<vmem>> -> memref<200x128xf32, #tpu.memory_space<vmem>>
      %dma_start3A_276 = arith.constant 0 : i32
      %dma_start3A_277 = tpu.memref_slice %arg5[%add3A_269, %dma_start3A_276] : memref<204800x128xf32, #tpu.memory_space<hbm>> -> memref<200x128xf32, #tpu.memory_space<hbm>>
      %dma_start3A_278 = tpu.memref_slice %arg10[%dma_start3A_271] : memref<4x!tpu.dma_semaphore, #tpu.memory_space<semaphore_mem>> -> memref<1x!tpu.dma_semaphore, #tpu.memory_space<semaphore_mem>>
      %dma_start3A_279 = tpu.memref_squeeze %dma_start3A_278 : memref<1x!tpu.dma_semaphore, #tpu.memory_space<semaphore_mem>> -> memref<!tpu.dma_semaphore, #tpu.memory_space<semaphore_mem>>
      %dma_start3A_280 = arith.constant 0 : i32
      %dma_start3A_281 = tpu.memref_slice %arg5[%add3A_269, %dma_start3A_280] : memref<204800x128xf32, #tpu.memory_space<hbm>> -> memref<200x128xf32, #tpu.memory_space<hbm>>
      %dma_start3A_282 = arith.constant 0 : i32
      %dma_start3A_283 = arith.constant 0 : i32
      %dma_start3A_284 = tpu.memref_slice %arg8[%dma_start3A_270, %dma_start3A_282, %dma_start3A_283] : memref<4x200x128xf32, #tpu.memory_space<vmem>> -> memref<1x200x128xf32, #tpu.memory_space<vmem>>
      %dma_start3A_285 = tpu.memref_squeeze %dma_start3A_284 : memref<1x200x128xf32, #tpu.memory_space<vmem>> -> memref<200x128xf32, #tpu.memory_space<vmem>>
      tpu.enqueue_dma source(%dma_start3A_285 : memref<200x128xf32, #tpu.memory_space<vmem>>) target(%dma_start3A_281 : memref<200x128xf32, #tpu.memory_space<hbm>>) target_semaphore(%dma_start3A_279 : memref<!tpu.dma_semaphore, #tpu.memory_space<semaphore_mem>>)
      %add3A_286 = arith.constant 2 : i32
      %add3A_287 = arith.addi %add3A_159, %add3A_286 : i32
      %add3A_288 = arith.constant 4 : i32
      %add3A_289 = arith.addi %add3A_287, %add3A_288 : i32
      %sub3A_290 = arith.constant 1 : i32
      %sub3A_291 = arith.subi %add3A_289, %sub3A_290 : i32
      %lt3A_292 = arith.constant 32 : i32
      %lt3A_293 = arith.cmpi slt, %sub3A_291, %lt3A_292 : i32
      %convert_element_type3A_294 = arith.extui %lt3A_293 : i1 to i32
      %cond3A_295 = arith.constant 0 : i32
      %cond3A_296 = arith.cmpi ne, %convert_element_type3A_294, %cond3A_295 : i32
      scf.if %cond3A_296 {
        %ge3A = arith.constant 1 : i32
        %ge3A_416 = arith.cmpi sge, %add3A_287, %ge3A : i32
        %convert_element_type3A_417 = arith.extui %ge3A_416 : i1 to i32
        %cond3A_418 = arith.constant 0 : i32
        %cond3A_419 = arith.cmpi ne, %convert_element_type3A_417, %cond3A_418 : i32
        scf.if %cond3A_419 {
          %sub3A_450 = arith.constant 1 : i32
          %sub3A_451 = arith.subi %add3A_287, %sub3A_450 : i32
          %mul3A_452 = arith.constant 200 : i32
          %mul3A_453 = arith.muli %sub3A_451, %mul3A_452 : i32
          %add3A_454 = arith.addi %mul3A_2, %mul3A_453 : i32
          %dma_wait3A_455 = arith.constant 1 : i32
          %dma_wait3A_456 = arith.constant 1 : i32
          %dma_wait3A_457 = arith.constant 0 : i32
          %dma_wait3A_458 = arith.constant 0 : i32
          %dma_wait3A_459 = tpu.memref_slice %arg8[%dma_wait3A_455, %dma_wait3A_457, %dma_wait3A_458] : memref<4x200x128xf32, #tpu.memory_space<vmem>> -> memref<1x200x128xf32, #tpu.memory_space<vmem>>
          %dma_wait3A_460 = tpu.memref_squeeze %dma_wait3A_459 : memref<1x200x128xf32, #tpu.memory_space<vmem>> -> memref<200x128xf32, #tpu.memory_space<vmem>>
          %dma_wait3A_461 = arith.constant 0 : i32
          %dma_wait3A_462 = tpu.memref_slice %arg5[%add3A_454, %dma_wait3A_461] : memref<204800x128xf32, #tpu.memory_space<hbm>> -> memref<200x128xf32, #tpu.memory_space<hbm>>
          %dma_wait3A_463 = tpu.memref_slice %arg10[%dma_wait3A_456] : memref<4x!tpu.dma_semaphore, #tpu.memory_space<semaphore_mem>> -> memref<1x!tpu.dma_semaphore, #tpu.memory_space<semaphore_mem>>
          %dma_wait3A_464 = tpu.memref_squeeze %dma_wait3A_463 : memref<1x!tpu.dma_semaphore, #tpu.memory_space<semaphore_mem>> -> memref<!tpu.dma_semaphore, #tpu.memory_space<semaphore_mem>>
          %dma_wait3A_465 = arith.constant 0 : i32
          %dma_wait3A_466 = tpu.memref_slice %arg5[%add3A_454, %dma_wait3A_465] : memref<204800x128xf32, #tpu.memory_space<hbm>> -> memref<200x128xf32, #tpu.memory_space<hbm>>
          %dma_wait3A_467 = arith.constant 0 : i32
          %dma_wait3A_468 = arith.constant 0 : i32
          %dma_wait3A_469 = tpu.memref_slice %arg8[%dma_wait3A_455, %dma_wait3A_467, %dma_wait3A_468] : memref<4x200x128xf32, #tpu.memory_space<vmem>> -> memref<1x200x128xf32, #tpu.memory_space<vmem>>
          %dma_wait3A_470 = tpu.memref_squeeze %dma_wait3A_469 : memref<1x200x128xf32, #tpu.memory_space<vmem>> -> memref<200x128xf32, #tpu.memory_space<vmem>>
          tpu.wait_dma2 semaphore(%dma_wait3A_464 : memref<!tpu.dma_semaphore, #tpu.memory_space<semaphore_mem>>) src(%dma_wait3A_470 : memref<200x128xf32, #tpu.memory_space<vmem>>) dst(%dma_wait3A_466 : memref<200x128xf32, #tpu.memory_space<hbm>>)
        } else {
        }
        %mul3A_420 = arith.constant 200 : i32
        %mul3A_421 = arith.muli %sub3A_291, %mul3A_420 : i32
        %mul3A_422 = arith.constant 200 : i32
        %mul3A_423 = arith.muli %sub3A_291, %mul3A_422 : i32
        %add3A_424 = arith.constant 128 : i32
        %add3A_425 = arith.addi %mul3A_423, %add3A_424 : i32
        %dma_start3A_426 = arith.constant 1 : i32
        %dma_start3A_427 = arith.constant 1 : i32
        %dma_start3A_428 = arith.constant 0 : i32
        %dma_start3A_429 = arith.constant 0 : i32
        %dma_start3A_430 = tpu.memref_slice %arg8[%dma_start3A_426, %dma_start3A_428, %dma_start3A_429] : memref<4x200x128xf32, #tpu.memory_space<vmem>> -> memref<1x128x128xf32, #tpu.memory_space<vmem>>
        %dma_start3A_431 = tpu.memref_squeeze %dma_start3A_430 : memref<1x128x128xf32, #tpu.memory_space<vmem>> -> memref<128x128xf32, #tpu.memory_space<vmem>>
        %dma_start3A_432 = tpu.memref_slice %arg6[%mul3A_421] : memref<6400xi32, #tpu.memory_space<vmem>> -> memref<128xi32, #tpu.memory_space<vmem>>
        %dma_start3A_433 = arith.constant 0 : i32
        %dma_start3A_434 = arith.constant 0 : i32
        %dma_start3A_435 = tpu.memref_slice %arg2[%dma_start3A_433, %dma_start3A_434] : memref<1000000x128xf32, #tpu.memory_space<hbm>> -> memref<1000000x128xf32, #tpu.memory_space<hbm>>
        %dma_start3A_436 = tpu.memref_slice %arg9[%dma_start3A_427] : memref<4x!tpu.dma_semaphore, #tpu.memory_space<semaphore_mem>> -> memref<1x!tpu.dma_semaphore, #tpu.memory_space<semaphore_mem>>
        %dma_start3A_437 = tpu.memref_squeeze %dma_start3A_436 : memref<1x!tpu.dma_semaphore, #tpu.memory_space<semaphore_mem>> -> memref<!tpu.dma_semaphore, #tpu.memory_space<semaphore_mem>>
        tpu.enqueue_indirect_dma source(%dma_start3A_435 : memref<1000000x128xf32, #tpu.memory_space<hbm>>) target(%dma_start3A_431 : memref<128x128xf32, #tpu.memory_space<vmem>>) offsets(%dma_start3A_432 : memref<128xi32, #tpu.memory_space<vmem>>) semaphore(%dma_start3A_437 : memref<!tpu.dma_semaphore, #tpu.memory_space<semaphore_mem>>)
        %dma_start3A_438 = arith.constant 1 : i32
        %dma_start3A_439 = arith.constant 1 : i32
        %dma_start3A_440 = arith.constant 128 : i32
        %dma_start3A_441 = arith.constant 0 : i32
        %dma_start3A_442 = tpu.memref_slice %arg8[%dma_start3A_438, %dma_start3A_440, %dma_start3A_441] : memref<4x200x128xf32, #tpu.memory_space<vmem>> -> memref<1x72x128xf32, #tpu.memory_space<vmem>>
        %dma_start3A_443 = tpu.memref_squeeze %dma_start3A_442 : memref<1x72x128xf32, #tpu.memory_space<vmem>> -> memref<72x128xf32, #tpu.memory_space<vmem>>
        %dma_start3A_444 = tpu.memref_slice %arg6[%add3A_425] : memref<6400xi32, #tpu.memory_space<vmem>> -> memref<72xi32, #tpu.memory_space<vmem>>
        %dma_start3A_445 = arith.constant 0 : i32
        %dma_start3A_446 = arith.constant 0 : i32
        %dma_start3A_447 = tpu.memref_slice %arg2[%dma_start3A_445, %dma_start3A_446] : memref<1000000x128xf32, #tpu.memory_space<hbm>> -> memref<1000000x128xf32, #tpu.memory_space<hbm>>
        %dma_start3A_448 = tpu.memref_slice %arg9[%dma_start3A_439] : memref<4x!tpu.dma_semaphore, #tpu.memory_space<semaphore_mem>> -> memref<1x!tpu.dma_semaphore, #tpu.memory_space<semaphore_mem>>
        %dma_start3A_449 = tpu.memref_squeeze %dma_start3A_448 : memref<1x!tpu.dma_semaphore, #tpu.memory_space<semaphore_mem>> -> memref<!tpu.dma_semaphore, #tpu.memory_space<semaphore_mem>>
        tpu.enqueue_indirect_dma source(%dma_start3A_447 : memref<1000000x128xf32, #tpu.memory_space<hbm>>) target(%dma_start3A_443 : memref<72x128xf32, #tpu.memory_space<vmem>>) offsets(%dma_start3A_444 : memref<72xi32, #tpu.memory_space<vmem>>) semaphore(%dma_start3A_449 : memref<!tpu.dma_semaphore, #tpu.memory_space<semaphore_mem>>)
      } else {
      }
      %mul3A_297 = arith.constant 200 : i32
      %mul3A_298 = arith.muli %add3A_287, %mul3A_297 : i32
      %mul3A_299 = arith.constant 200 : i32
      %mul3A_300 = arith.muli %add3A_287, %mul3A_299 : i32
      %add3A_301 = arith.constant 128 : i32
      %add3A_302 = arith.addi %mul3A_300, %add3A_301 : i32
      %dma_wait3A_303 = arith.constant 2 : i32
      %dma_wait3A_304 = arith.constant 2 : i32
      %dma_wait3A_305 = arith.constant 0 : i32
      %dma_wait3A_306 = arith.constant 0 : i32
      %dma_wait3A_307 = tpu.memref_slice %arg8[%dma_wait3A_303, %dma_wait3A_305, %dma_wait3A_306] : memref<4x200x128xf32, #tpu.memory_space<vmem>> -> memref<1x128x128xf32, #tpu.memory_space<vmem>>
      %dma_wait3A_308 = tpu.memref_squeeze %dma_wait3A_307 : memref<1x128x128xf32, #tpu.memory_space<vmem>> -> memref<128x128xf32, #tpu.memory_space<vmem>>
      %dma_wait3A_309 = tpu.memref_slice %arg6[%mul3A_298] : memref<6400xi32, #tpu.memory_space<vmem>> -> memref<128xi32, #tpu.memory_space<vmem>>
      %dma_wait3A_310 = arith.constant 0 : i32
      %dma_wait3A_311 = arith.constant 0 : i32
      %dma_wait3A_312 = tpu.memref_slice %arg2[%dma_wait3A_310, %dma_wait3A_311] : memref<1000000x128xf32, #tpu.memory_space<hbm>> -> memref<1000000x128xf32, #tpu.memory_space<hbm>>
      %dma_wait3A_313 = tpu.memref_slice %arg9[%dma_wait3A_304] : memref<4x!tpu.dma_semaphore, #tpu.memory_space<semaphore_mem>> -> memref<1x!tpu.dma_semaphore, #tpu.memory_space<semaphore_mem>>
      %dma_wait3A_314 = tpu.memref_squeeze %dma_wait3A_313 : memref<1x!tpu.dma_semaphore, #tpu.memory_space<semaphore_mem>> -> memref<!tpu.dma_semaphore, #tpu.memory_space<semaphore_mem>>
      tpu.wait_indirect_dma semaphore(%dma_wait3A_314 : memref<!tpu.dma_semaphore, #tpu.memory_space<semaphore_mem>>) src(%dma_wait3A_312 : memref<1000000x128xf32, #tpu.memory_space<hbm>>) dst(%dma_wait3A_308 : memref<128x128xf32, #tpu.memory_space<vmem>>)
      %dma_wait3A_315 = arith.constant 2 : i32
      %dma_wait3A_316 = arith.constant 2 : i32
      %dma_wait3A_317 = arith.constant 128 : i32
      %dma_wait3A_318 = arith.constant 0 : i32
      %dma_wait3A_319 = tpu.memref_slice %arg8[%dma_wait3A_315, %dma_wait3A_317, %dma_wait3A_318] : memref<4x200x128xf32, #tpu.memory_space<vmem>> -> memref<1x72x128xf32, #tpu.memory_space<vmem>>
      %dma_wait3A_320 = tpu.memref_squeeze %dma_wait3A_319 : memref<1x72x128xf32, #tpu.memory_space<vmem>> -> memref<72x128xf32, #tpu.memory_space<vmem>>
      %dma_wait3A_321 = tpu.memref_slice %arg6[%add3A_302] : memref<6400xi32, #tpu.memory_space<vmem>> -> memref<72xi32, #tpu.memory_space<vmem>>
      %dma_wait3A_322 = arith.constant 0 : i32
      %dma_wait3A_323 = arith.constant 0 : i32
      %dma_wait3A_324 = tpu.memref_slice %arg2[%dma_wait3A_322, %dma_wait3A_323] : memref<1000000x128xf32, #tpu.memory_space<hbm>> -> memref<1000000x128xf32, #tpu.memory_space<hbm>>
      %dma_wait3A_325 = tpu.memref_slice %arg9[%dma_wait3A_316] : memref<4x!tpu.dma_semaphore, #tpu.memory_space<semaphore_mem>> -> memref<1x!tpu.dma_semaphore, #tpu.memory_space<semaphore_mem>>
      %dma_wait3A_326 = tpu.memref_squeeze %dma_wait3A_325 : memref<1x!tpu.dma_semaphore, #tpu.memory_space<semaphore_mem>> -> memref<!tpu.dma_semaphore, #tpu.memory_space<semaphore_mem>>
      tpu.wait_indirect_dma semaphore(%dma_wait3A_326 : memref<!tpu.dma_semaphore, #tpu.memory_space<semaphore_mem>>) src(%dma_wait3A_324 : memref<1000000x128xf32, #tpu.memory_space<hbm>>) dst(%dma_wait3A_320 : memref<72x128xf32, #tpu.memory_space<vmem>>)
      %scan3A_327 = arith.constant 0 : i32
      %scan3A_328 = arith.constant 200 : i32
      %scan3A_329 = arith.addi %scan3A_327, %scan3A_328 : i32
      %scan3A_330 = arith.constant 1 : i32
      scf.for %scan3A_416 = %scan3A_327 to %scan3A_329 step %scan3A_330  : i32 {
        %mul3A_417 = arith.constant 1 : i32
        %mul3A_418 = arith.muli %scan3A_416, %mul3A_417 : i32
        %add3A_419 = arith.constant 0 : i32
        %add3A_420 = arith.addi %add3A_419, %mul3A_418 : i32
        %get3A = arith.constant 2 : i32
        %get3A_421 = arith.index_cast %get3A : i32 to index
        %get3A_422 = arith.index_cast %add3A_420 : i32 to index
        %get3A_423 = arith.constant 0 : index
        %get3A_424 = tpu.vector_load %arg8[%get3A_421, %get3A_422, %get3A_423] {strides = array<i32>} : memref<4x200x128xf32, #tpu.memory_space<vmem>>, vector<1x1x16xf32>,
        %get3A_425 = vector.shape_cast %get3A_424 : vector<1x1x16xf32> to vector<16xf32>
        %mul3A_426 = arith.constant 64 : i32
        %mul3A_427 = arith.muli %add3A_420, %mul3A_426 : i32
        %add3A_428 = arith.constant 0 : i32
        %add3A_429 = arith.addi %mul3A_427, %add3A_428 : i32
        %get3A_430 = arith.index_cast %add3A_429 : i32 to index
        %get3A_431 = tpu.vector_load %arg7[%get3A_430] {strides = array<i32>} : memref<12800xf32, #tpu.memory_space<vmem>>, vector<16xf32>,
        %get3A_432 = vector.shape_cast %get3A_431 : vector<16xf32> to vector<16xf32>
        %add3A_433 = arith.addf %get3A_425, %get3A_432 : vector<16xf32>
        %swap3A = arith.constant 2 : i32
        %swap3A_434 = arith.index_cast %swap3A : i32 to index
        %swap3A_435 = arith.index_cast %add3A_420 : i32 to index
        %swap3A_436 = arith.constant 0 : index
        %swap3A_437 = tpu.vector_load %arg8[%swap3A_434, %swap3A_435, %swap3A_436] {strides = array<i32>} : memref<4x200x128xf32, #tpu.memory_space<vmem>>, vector<1x1x16xf32>,
        %swap3A_438 = vector.shape_cast %swap3A_437 : vector<1x1x16xf32> to vector<16xf32>
        %swap3A_439 = vector.shape_cast %add3A_433 : vector<16xf32> to vector<1x1x16xf32>
        tpu.vector_store %arg8[%swap3A_434, %swap3A_435, %swap3A_436], %swap3A_439 {strides = array<i32>} : memref<4x200x128xf32, #tpu.memory_space<vmem>>, vector<1x1x16xf32>,
        %get3A_440 = arith.constant 2 : i32
        %get3A_441 = arith.index_cast %get3A_440 : i32 to index
        %get3A_442 = arith.index_cast %add3A_420 : i32 to index
        %get3A_443 = arith.constant 16 : index
        %get3A_444 = tpu.vector_load %arg8[%get3A_441, %get3A_442, %get3A_443] {strides = array<i32>} : memref<4x200x128xf32, #tpu.memory_space<vmem>>, vector<1x1x16xf32>,
        %get3A_445 = vector.shape_cast %get3A_444 : vector<1x1x16xf32> to vector<16xf32>
        %mul3A_446 = arith.constant 64 : i32
        %mul3A_447 = arith.muli %add3A_420, %mul3A_446 : i32
        %add3A_448 = arith.constant 16 : i32
        %add3A_449 = arith.addi %mul3A_447, %add3A_448 : i32
        %get3A_450 = arith.index_cast %add3A_449 : i32 to index
        %get3A_451 = tpu.vector_load %arg7[%get3A_450] {strides = array<i32>} : memref<12800xf32, #tpu.memory_space<vmem>>, vector<16xf32>,
        %get3A_452 = vector.shape_cast %get3A_451 : vector<16xf32> to vector<16xf32>
        %add3A_453 = arith.addf %get3A_445, %get3A_452 : vector<16xf32>
        %swap3A_454 = arith.constant 2 : i32
        %swap3A_455 = arith.index_cast %swap3A_454 : i32 to index
        %swap3A_456 = arith.index_cast %add3A_420 : i32 to index
        %swap3A_457 = arith.constant 16 : index
        %swap3A_458 = tpu.vector_load %arg8[%swap3A_455, %swap3A_456, %swap3A_457] {strides = array<i32>} : memref<4x200x128xf32, #tpu.memory_space<vmem>>, vector<1x1x16xf32>,
        %swap3A_459 = vector.shape_cast %swap3A_458 : vector<1x1x16xf32> to vector<16xf32>
        %swap3A_460 = vector.shape_cast %add3A_453 : vector<16xf32> to vector<1x1x16xf32>
        tpu.vector_store %arg8[%swap3A_455, %swap3A_456, %swap3A_457], %swap3A_460 {strides = array<i32>} : memref<4x200x128xf32, #tpu.memory_space<vmem>>, vector<1x1x16xf32>,
        %get3A_461 = arith.constant 2 : i32
        %get3A_462 = arith.index_cast %get3A_461 : i32 to index
        %get3A_463 = arith.index_cast %add3A_420 : i32 to index
        %get3A_464 = arith.constant 32 : index
        %get3A_465 = tpu.vector_load %arg8[%get3A_462, %get3A_463, %get3A_464] {strides = array<i32>} : memref<4x200x128xf32, #tpu.memory_space<vmem>>, vector<1x1x16xf32>,
        %get3A_466 = vector.shape_cast %get3A_465 : vector<1x1x16xf32> to vector<16xf32>
        %mul3A_467 = arith.constant 64 : i32
        %mul3A_468 = arith.muli %add3A_420, %mul3A_467 : i32
        %add3A_469 = arith.constant 32 : i32
        %add3A_470 = arith.addi %mul3A_468, %add3A_469 : i32
        %get3A_471 = arith.index_cast %add3A_470 : i32 to index
        %get3A_472 = tpu.vector_load %arg7[%get3A_471] {strides = array<i32>} : memref<12800xf32, #tpu.memory_space<vmem>>, vector<16xf32>,
        %get3A_473 = vector.shape_cast %get3A_472 : vector<16xf32> to vector<16xf32>
        %add3A_474 = arith.addf %get3A_466, %get3A_473 : vector<16xf32>
        %swap3A_475 = arith.constant 2 : i32
        %swap3A_476 = arith.index_cast %swap3A_475 : i32 to index
        %swap3A_477 = arith.index_cast %add3A_420 : i32 to index
        %swap3A_478 = arith.constant 32 : index
        %swap3A_479 = tpu.vector_load %arg8[%swap3A_476, %swap3A_477, %swap3A_478] {strides = array<i32>} : memref<4x200x128xf32, #tpu.memory_space<vmem>>, vector<1x1x16xf32>,
        %swap3A_480 = vector.shape_cast %swap3A_479 : vector<1x1x16xf32> to vector<16xf32>
        %swap3A_481 = vector.shape_cast %add3A_474 : vector<16xf32> to vector<1x1x16xf32>
        tpu.vector_store %arg8[%swap3A_476, %swap3A_477, %swap3A_478], %swap3A_481 {strides = array<i32>} : memref<4x200x128xf32, #tpu.memory_space<vmem>>, vector<1x1x16xf32>,
        %get3A_482 = arith.constant 2 : i32
        %get3A_483 = arith.index_cast %get3A_482 : i32 to index
        %get3A_484 = arith.index_cast %add3A_420 : i32 to index
        %get3A_485 = arith.constant 48 : index
        %get3A_486 = tpu.vector_load %arg8[%get3A_483, %get3A_484, %get3A_485] {strides = array<i32>} : memref<4x200x128xf32, #tpu.memory_space<vmem>>, vector<1x1x16xf32>,
        %get3A_487 = vector.shape_cast %get3A_486 : vector<1x1x16xf32> to vector<16xf32>
        %mul3A_488 = arith.constant 64 : i32
        %mul3A_489 = arith.muli %add3A_420, %mul3A_488 : i32
        %add3A_490 = arith.constant 48 : i32
        %add3A_491 = arith.addi %mul3A_489, %add3A_490 : i32
        %get3A_492 = arith.index_cast %add3A_491 : i32 to index
        %get3A_493 = tpu.vector_load %arg7[%get3A_492] {strides = array<i32>} : memref<12800xf32, #tpu.memory_space<vmem>>, vector<16xf32>,
        %get3A_494 = vector.shape_cast %get3A_493 : vector<16xf32> to vector<16xf32>
        %add3A_495 = arith.addf %get3A_487, %get3A_494 : vector<16xf32>
        %swap3A_496 = arith.constant 2 : i32
        %swap3A_497 = arith.index_cast %swap3A_496 : i32 to index
        %swap3A_498 = arith.index_cast %add3A_420 : i32 to index
        %swap3A_499 = arith.constant 48 : index
        %swap3A_500 = tpu.vector_load %arg8[%swap3A_497, %swap3A_498, %swap3A_499] {strides = array<i32>} : memref<4x200x128xf32, #tpu.memory_space<vmem>>, vector<1x1x16xf32>,
        %swap3A_501 = vector.shape_cast %swap3A_500 : vector<1x1x16xf32> to vector<16xf32>
        %swap3A_502 = vector.shape_cast %add3A_495 : vector<16xf32> to vector<1x1x16xf32>
        tpu.vector_store %arg8[%swap3A_497, %swap3A_498, %swap3A_499], %swap3A_502 {strides = array<i32>} : memref<4x200x128xf32, #tpu.memory_space<vmem>>, vector<1x1x16xf32>,
      }
      %scan3A_331 = arith.constant 200 : i32
      %mul3A_332 = arith.constant 200 : i32
      %mul3A_333 = arith.muli %add3A_287, %mul3A_332 : i32
      %add3A_334 = arith.addi %mul3A_2, %mul3A_333 : i32
      %dma_start3A_335 = arith.constant 2 : i32
      %dma_start3A_336 = arith.constant 2 : i32
      %dma_start3A_337 = arith.constant 0 : i32
      %dma_start3A_338 = arith.constant 0 : i32
      %dma_start3A_339 = tpu.memref_slice %arg8[%dma_start3A_335, %dma_start3A_337, %dma_start3A_338] : memref<4x200x128xf32, #tpu.memory_space<vmem>> -> memref<1x200x128xf32, #tpu.memory_space<vmem>>
      %dma_start3A_340 = tpu.memref_squeeze %dma_start3A_339 : memref<1x200x128xf32, #tpu.memory_space<vmem>> -> memref<200x128xf32, #tpu.memory_space<vmem>>
      %dma_start3A_341 = arith.constant 0 : i32
      %dma_start3A_342 = tpu.memref_slice %arg5[%add3A_334, %dma_start3A_341] : memref<204800x128xf32, #tpu.memory_space<hbm>> -> memref<200x128xf32, #tpu.memory_space<hbm>>
      %dma_start3A_343 = tpu.memref_slice %arg10[%dma_start3A_336] : memref<4x!tpu.dma_semaphore, #tpu.memory_space<semaphore_mem>> -> memref<1x!tpu.dma_semaphore, #tpu.memory_space<semaphore_mem>>
      %dma_start3A_344 = tpu.memref_squeeze %dma_start3A_343 : memref<1x!tpu.dma_semaphore, #tpu.memory_space<semaphore_mem>> -> memref<!tpu.dma_semaphore, #tpu.memory_space<semaphore_mem>>
      %dma_start3A_345 = arith.constant 0 : i32
      %dma_start3A_346 = tpu.memref_slice %arg5[%add3A_334, %dma_start3A_345] : memref<204800x128xf32, #tpu.memory_space<hbm>> -> memref<200x128xf32, #tpu.memory_space<hbm>>
      %dma_start3A_347 = arith.constant 0 : i32
      %dma_start3A_348 = arith.constant 0 : i32
      %dma_start3A_349 = tpu.memref_slice %arg8[%dma_start3A_335, %dma_start3A_347, %dma_start3A_348] : memref<4x200x128xf32, #tpu.memory_space<vmem>> -> memref<1x200x128xf32, #tpu.memory_space<vmem>>
      %dma_start3A_350 = tpu.memref_squeeze %dma_start3A_349 : memref<1x200x128xf32, #tpu.memory_space<vmem>> -> memref<200x128xf32, #tpu.memory_space<vmem>>
      tpu.enqueue_dma source(%dma_start3A_350 : memref<200x128xf32, #tpu.memory_space<vmem>>) target(%dma_start3A_346 : memref<200x128xf32, #tpu.memory_space<hbm>>) target_semaphore(%dma_start3A_344 : memref<!tpu.dma_semaphore, #tpu.memory_space<semaphore_mem>>)
      %add3A_351 = arith.constant 3 : i32
      %add3A_352 = arith.addi %add3A_159, %add3A_351 : i32
      %add3A_353 = arith.constant 4 : i32
      %add3A_354 = arith.addi %add3A_352, %add3A_353 : i32
      %sub3A_355 = arith.constant 1 : i32
      %sub3A_356 = arith.subi %add3A_354, %sub3A_355 : i32
      %lt3A_357 = arith.constant 32 : i32
      %lt3A_358 = arith.cmpi slt, %sub3A_356, %lt3A_357 : i32
      %convert_element_type3A_359 = arith.extui %lt3A_358 : i1 to i32
      %cond3A_360 = arith.constant 0 : i32
      %cond3A_361 = arith.cmpi ne, %convert_element_type3A_359, %cond3A_360 : i32
      scf.if %cond3A_361 {
        %ge3A = arith.constant 1 : i32
        %ge3A_416 = arith.cmpi sge, %add3A_352, %ge3A : i32
        %convert_element_type3A_417 = arith.extui %ge3A_416 : i1 to i32
        %cond3A_418 = arith.constant 0 : i32
        %cond3A_419 = arith.cmpi ne, %convert_element_type3A_417, %cond3A_418 : i32
        scf.if %cond3A_419 {
          %sub3A_450 = arith.constant 1 : i32
          %sub3A_451 = arith.subi %add3A_352, %sub3A_450 : i32
          %mul3A_452 = arith.constant 200 : i32
          %mul3A_453 = arith.muli %sub3A_451, %mul3A_452 : i32
          %add3A_454 = arith.addi %mul3A_2, %mul3A_453 : i32
          %dma_wait3A_455 = arith.constant 2 : i32
          %dma_wait3A_456 = arith.constant 2 : i32
          %dma_wait3A_457 = arith.constant 0 : i32
          %dma_wait3A_458 = arith.constant 0 : i32
          %dma_wait3A_459 = tpu.memref_slice %arg8[%dma_wait3A_455, %dma_wait3A_457, %dma_wait3A_458] : memref<4x200x128xf32, #tpu.memory_space<vmem>> -> memref<1x200x128xf32, #tpu.memory_space<vmem>>
          %dma_wait3A_460 = tpu.memref_squeeze %dma_wait3A_459 : memref<1x200x128xf32, #tpu.memory_space<vmem>> -> memref<200x128xf32, #tpu.memory_space<vmem>>
          %dma_wait3A_461 = arith.constant 0 : i32
          %dma_wait3A_462 = tpu.memref_slice %arg5[%add3A_454, %dma_wait3A_461] : memref<204800x128xf32, #tpu.memory_space<hbm>> -> memref<200x128xf32, #tpu.memory_space<hbm>>
          %dma_wait3A_463 = tpu.memref_slice %arg10[%dma_wait3A_456] : memref<4x!tpu.dma_semaphore, #tpu.memory_space<semaphore_mem>> -> memref<1x!tpu.dma_semaphore, #tpu.memory_space<semaphore_mem>>
          %dma_wait3A_464 = tpu.memref_squeeze %dma_wait3A_463 : memref<1x!tpu.dma_semaphore, #tpu.memory_space<semaphore_mem>> -> memref<!tpu.dma_semaphore, #tpu.memory_space<semaphore_mem>>
          %dma_wait3A_465 = arith.constant 0 : i32
          %dma_wait3A_466 = tpu.memref_slice %arg5[%add3A_454, %dma_wait3A_465] : memref<204800x128xf32, #tpu.memory_space<hbm>> -> memref<200x128xf32, #tpu.memory_space<hbm>>
          %dma_wait3A_467 = arith.constant 0 : i32
          %dma_wait3A_468 = arith.constant 0 : i32
          %dma_wait3A_469 = tpu.memref_slice %arg8[%dma_wait3A_455, %dma_wait3A_467, %dma_wait3A_468] : memref<4x200x128xf32, #tpu.memory_space<vmem>> -> memref<1x200x128xf32, #tpu.memory_space<vmem>>
          %dma_wait3A_470 = tpu.memref_squeeze %dma_wait3A_469 : memref<1x200x128xf32, #tpu.memory_space<vmem>> -> memref<200x128xf32, #tpu.memory_space<vmem>>
          tpu.wait_dma2 semaphore(%dma_wait3A_464 : memref<!tpu.dma_semaphore, #tpu.memory_space<semaphore_mem>>) src(%dma_wait3A_470 : memref<200x128xf32, #tpu.memory_space<vmem>>) dst(%dma_wait3A_466 : memref<200x128xf32, #tpu.memory_space<hbm>>)
        } else {
        }
        %mul3A_420 = arith.constant 200 : i32
        %mul3A_421 = arith.muli %sub3A_356, %mul3A_420 : i32
        %mul3A_422 = arith.constant 200 : i32
        %mul3A_423 = arith.muli %sub3A_356, %mul3A_422 : i32
        %add3A_424 = arith.constant 128 : i32
        %add3A_425 = arith.addi %mul3A_423, %add3A_424 : i32
        %dma_start3A_426 = arith.constant 2 : i32
        %dma_start3A_427 = arith.constant 2 : i32
        %dma_start3A_428 = arith.constant 0 : i32
        %dma_start3A_429 = arith.constant 0 : i32
        %dma_start3A_430 = tpu.memref_slice %arg8[%dma_start3A_426, %dma_start3A_428, %dma_start3A_429] : memref<4x200x128xf32, #tpu.memory_space<vmem>> -> memref<1x128x128xf32, #tpu.memory_space<vmem>>
        %dma_start3A_431 = tpu.memref_squeeze %dma_start3A_430 : memref<1x128x128xf32, #tpu.memory_space<vmem>> -> memref<128x128xf32, #tpu.memory_space<vmem>>
        %dma_start3A_432 = tpu.memref_slice %arg6[%mul3A_421] : memref<6400xi32, #tpu.memory_space<vmem>> -> memref<128xi32, #tpu.memory_space<vmem>>
        %dma_start3A_433 = arith.constant 0 : i32
        %dma_start3A_434 = arith.constant 0 : i32
        %dma_start3A_435 = tpu.memref_slice %arg2[%dma_start3A_433, %dma_start3A_434] : memref<1000000x128xf32, #tpu.memory_space<hbm>> -> memref<1000000x128xf32, #tpu.memory_space<hbm>>
        %dma_start3A_436 = tpu.memref_slice %arg9[%dma_start3A_427] : memref<4x!tpu.dma_semaphore, #tpu.memory_space<semaphore_mem>> -> memref<1x!tpu.dma_semaphore, #tpu.memory_space<semaphore_mem>>
        %dma_start3A_437 = tpu.memref_squeeze %dma_start3A_436 : memref<1x!tpu.dma_semaphore, #tpu.memory_space<semaphore_mem>> -> memref<!tpu.dma_semaphore, #tpu.memory_space<semaphore_mem>>
        tpu.enqueue_indirect_dma source(%dma_start3A_435 : memref<1000000x128xf32, #tpu.memory_space<hbm>>) target(%dma_start3A_431 : memref<128x128xf32, #tpu.memory_space<vmem>>) offsets(%dma_start3A_432 : memref<128xi32, #tpu.memory_space<vmem>>) semaphore(%dma_start3A_437 : memref<!tpu.dma_semaphore, #tpu.memory_space<semaphore_mem>>)
        %dma_start3A_438 = arith.constant 2 : i32
        %dma_start3A_439 = arith.constant 2 : i32
        %dma_start3A_440 = arith.constant 128 : i32
        %dma_start3A_441 = arith.constant 0 : i32
        %dma_start3A_442 = tpu.memref_slice %arg8[%dma_start3A_438, %dma_start3A_440, %dma_start3A_441] : memref<4x200x128xf32, #tpu.memory_space<vmem>> -> memref<1x72x128xf32, #tpu.memory_space<vmem>>
        %dma_start3A_443 = tpu.memref_squeeze %dma_start3A_442 : memref<1x72x128xf32, #tpu.memory_space<vmem>> -> memref<72x128xf32, #tpu.memory_space<vmem>>
        %dma_start3A_444 = tpu.memref_slice %arg6[%add3A_425] : memref<6400xi32, #tpu.memory_space<vmem>> -> memref<72xi32, #tpu.memory_space<vmem>>
        %dma_start3A_445 = arith.constant 0 : i32
        %dma_start3A_446 = arith.constant 0 : i32
        %dma_start3A_447 = tpu.memref_slice %arg2[%dma_start3A_445, %dma_start3A_446] : memref<1000000x128xf32, #tpu.memory_space<hbm>> -> memref<1000000x128xf32, #tpu.memory_space<hbm>>
        %dma_start3A_448 = tpu.memref_slice %arg9[%dma_start3A_439] : memref<4x!tpu.dma_semaphore, #tpu.memory_space<semaphore_mem>> -> memref<1x!tpu.dma_semaphore, #tpu.memory_space<semaphore_mem>>
        %dma_start3A_449 = tpu.memref_squeeze %dma_start3A_448 : memref<1x!tpu.dma_semaphore, #tpu.memory_space<semaphore_mem>> -> memref<!tpu.dma_semaphore, #tpu.memory_space<semaphore_mem>>
        tpu.enqueue_indirect_dma source(%dma_start3A_447 : memref<1000000x128xf32, #tpu.memory_space<hbm>>) target(%dma_start3A_443 : memref<72x128xf32, #tpu.memory_space<vmem>>) offsets(%dma_start3A_444 : memref<72xi32, #tpu.memory_space<vmem>>) semaphore(%dma_start3A_449 : memref<!tpu.dma_semaphore, #tpu.memory_space<semaphore_mem>>)
      } else {
      }
      %mul3A_362 = arith.constant 200 : i32
      %mul3A_363 = arith.muli %add3A_352, %mul3A_362 : i32
      %mul3A_364 = arith.constant 200 : i32
      %mul3A_365 = arith.muli %add3A_352, %mul3A_364 : i32
      %add3A_366 = arith.constant 128 : i32
      %add3A_367 = arith.addi %mul3A_365, %add3A_366 : i32
      %dma_wait3A_368 = arith.constant 3 : i32
      %dma_wait3A_369 = arith.constant 3 : i32
      %dma_wait3A_370 = arith.constant 0 : i32
      %dma_wait3A_371 = arith.constant 0 : i32
      %dma_wait3A_372 = tpu.memref_slice %arg8[%dma_wait3A_368, %dma_wait3A_370, %dma_wait3A_371] : memref<4x200x128xf32, #tpu.memory_space<vmem>> -> memref<1x128x128xf32, #tpu.memory_space<vmem>>
      %dma_wait3A_373 = tpu.memref_squeeze %dma_wait3A_372 : memref<1x128x128xf32, #tpu.memory_space<vmem>> -> memref<128x128xf32, #tpu.memory_space<vmem>>
      %dma_wait3A_374 = tpu.memref_slice %arg6[%mul3A_363] : memref<6400xi32, #tpu.memory_space<vmem>> -> memref<128xi32, #tpu.memory_space<vmem>>
      %dma_wait3A_375 = arith.constant 0 : i32
      %dma_wait3A_376 = arith.constant 0 : i32
      %dma_wait3A_377 = tpu.memref_slice %arg2[%dma_wait3A_375, %dma_wait3A_376] : memref<1000000x128xf32, #tpu.memory_space<hbm>> -> memref<1000000x128xf32, #tpu.memory_space<hbm>>
      %dma_wait3A_378 = tpu.memref_slice %arg9[%dma_wait3A_369] : memref<4x!tpu.dma_semaphore, #tpu.memory_space<semaphore_mem>> -> memref<1x!tpu.dma_semaphore, #tpu.memory_space<semaphore_mem>>
      %dma_wait3A_379 = tpu.memref_squeeze %dma_wait3A_378 : memref<1x!tpu.dma_semaphore, #tpu.memory_space<semaphore_mem>> -> memref<!tpu.dma_semaphore, #tpu.memory_space<semaphore_mem>>
      tpu.wait_indirect_dma semaphore(%dma_wait3A_379 : memref<!tpu.dma_semaphore, #tpu.memory_space<semaphore_mem>>) src(%dma_wait3A_377 : memref<1000000x128xf32, #tpu.memory_space<hbm>>) dst(%dma_wait3A_373 : memref<128x128xf32, #tpu.memory_space<vmem>>)
      %dma_wait3A_380 = arith.constant 3 : i32
      %dma_wait3A_381 = arith.constant 3 : i32
      %dma_wait3A_382 = arith.constant 128 : i32
      %dma_wait3A_383 = arith.constant 0 : i32
      %dma_wait3A_384 = tpu.memref_slice %arg8[%dma_wait3A_380, %dma_wait3A_382, %dma_wait3A_383] : memref<4x200x128xf32, #tpu.memory_space<vmem>> -> memref<1x72x128xf32, #tpu.memory_space<vmem>>
      %dma_wait3A_385 = tpu.memref_squeeze %dma_wait3A_384 : memref<1x72x128xf32, #tpu.memory_space<vmem>> -> memref<72x128xf32, #tpu.memory_space<vmem>>
      %dma_wait3A_386 = tpu.memref_slice %arg6[%add3A_367] : memref<6400xi32, #tpu.memory_space<vmem>> -> memref<72xi32, #tpu.memory_space<vmem>>
      %dma_wait3A_387 = arith.constant 0 : i32
      %dma_wait3A_388 = arith.constant 0 : i32
      %dma_wait3A_389 = tpu.memref_slice %arg2[%dma_wait3A_387, %dma_wait3A_388] : memref<1000000x128xf32, #tpu.memory_space<hbm>> -> memref<1000000x128xf32, #tpu.memory_space<hbm>>
      %dma_wait3A_390 = tpu.memref_slice %arg9[%dma_wait3A_381] : memref<4x!tpu.dma_semaphore, #tpu.memory_space<semaphore_mem>> -> memref<1x!tpu.dma_semaphore, #tpu.memory_space<semaphore_mem>>
      %dma_wait3A_391 = tpu.memref_squeeze %dma_wait3A_390 : memref<1x!tpu.dma_semaphore, #tpu.memory_space<semaphore_mem>> -> memref<!tpu.dma_semaphore, #tpu.memory_space<semaphore_mem>>
      tpu.wait_indirect_dma semaphore(%dma_wait3A_391 : memref<!tpu.dma_semaphore, #tpu.memory_space<semaphore_mem>>) src(%dma_wait3A_389 : memref<1000000x128xf32, #tpu.memory_space<hbm>>) dst(%dma_wait3A_385 : memref<72x128xf32, #tpu.memory_space<vmem>>)
      %scan3A_392 = arith.constant 0 : i32
      %scan3A_393 = arith.constant 200 : i32
      %scan3A_394 = arith.addi %scan3A_392, %scan3A_393 : i32
      %scan3A_395 = arith.constant 1 : i32
      scf.for %scan3A_416 = %scan3A_392 to %scan3A_394 step %scan3A_395  : i32 {
        %mul3A_417 = arith.constant 1 : i32
        %mul3A_418 = arith.muli %scan3A_416, %mul3A_417 : i32
        %add3A_419 = arith.constant 0 : i32
        %add3A_420 = arith.addi %add3A_419, %mul3A_418 : i32
        %get3A = arith.constant 3 : i32
        %get3A_421 = arith.index_cast %get3A : i32 to index
        %get3A_422 = arith.index_cast %add3A_420 : i32 to index
        %get3A_423 = arith.constant 0 : index
        %get3A_424 = tpu.vector_load %arg8[%get3A_421, %get3A_422, %get3A_423] {strides = array<i32>} : memref<4x200x128xf32, #tpu.memory_space<vmem>>, vector<1x1x16xf32>,
        %get3A_425 = vector.shape_cast %get3A_424 : vector<1x1x16xf32> to vector<16xf32>
        %mul3A_426 = arith.constant 64 : i32
        %mul3A_427 = arith.muli %add3A_420, %mul3A_426 : i32
        %add3A_428 = arith.constant 0 : i32
        %add3A_429 = arith.addi %mul3A_427, %add3A_428 : i32
        %get3A_430 = arith.index_cast %add3A_429 : i32 to index
        %get3A_431 = tpu.vector_load %arg7[%get3A_430] {strides = array<i32>} : memref<12800xf32, #tpu.memory_space<vmem>>, vector<16xf32>,
        %get3A_432 = vector.shape_cast %get3A_431 : vector<16xf32> to vector<16xf32>
        %add3A_433 = arith.addf %get3A_425, %get3A_432 : vector<16xf32>
        %swap3A = arith.constant 3 : i32
        %swap3A_434 = arith.index_cast %swap3A : i32 to index
        %swap3A_435 = arith.index_cast %add3A_420 : i32 to index
        %swap3A_436 = arith.constant 0 : index
        %swap3A_437 = tpu.vector_load %arg8[%swap3A_434, %swap3A_435, %swap3A_436] {strides = array<i32>} : memref<4x200x128xf32, #tpu.memory_space<vmem>>, vector<1x1x16xf32>,
        %swap3A_438 = vector.shape_cast %swap3A_437 : vector<1x1x16xf32> to vector<16xf32>
        %swap3A_439 = vector.shape_cast %add3A_433 : vector<16xf32> to vector<1x1x16xf32>
        tpu.vector_store %arg8[%swap3A_434, %swap3A_435, %swap3A_436], %swap3A_439 {strides = array<i32>} : memref<4x200x128xf32, #tpu.memory_space<vmem>>, vector<1x1x16xf32>,
        %get3A_440 = arith.constant 3 : i32
        %get3A_441 = arith.index_cast %get3A_440 : i32 to index
        %get3A_442 = arith.index_cast %add3A_420 : i32 to index
        %get3A_443 = arith.constant 16 : index
        %get3A_444 = tpu.vector_load %arg8[%get3A_441, %get3A_442, %get3A_443] {strides = array<i32>} : memref<4x200x128xf32, #tpu.memory_space<vmem>>, vector<1x1x16xf32>,
        %get3A_445 = vector.shape_cast %get3A_444 : vector<1x1x16xf32> to vector<16xf32>
        %mul3A_446 = arith.constant 64 : i32
        %mul3A_447 = arith.muli %add3A_420, %mul3A_446 : i32
        %add3A_448 = arith.constant 16 : i32
        %add3A_449 = arith.addi %mul3A_447, %add3A_448 : i32
        %get3A_450 = arith.index_cast %add3A_449 : i32 to index
        %get3A_451 = tpu.vector_load %arg7[%get3A_450] {strides = array<i32>} : memref<12800xf32, #tpu.memory_space<vmem>>, vector<16xf32>,
        %get3A_452 = vector.shape_cast %get3A_451 : vector<16xf32> to vector<16xf32>
        %add3A_453 = arith.addf %get3A_445, %get3A_452 : vector<16xf32>
        %swap3A_454 = arith.constant 3 : i32
        %swap3A_455 = arith.index_cast %swap3A_454 : i32 to index
        %swap3A_456 = arith.index_cast %add3A_420 : i32 to index
        %swap3A_457 = arith.constant 16 : index
        %swap3A_458 = tpu.vector_load %arg8[%swap3A_455, %swap3A_456, %swap3A_457] {strides = array<i32>} : memref<4x200x128xf32, #tpu.memory_space<vmem>>, vector<1x1x16xf32>,
        %swap3A_459 = vector.shape_cast %swap3A_458 : vector<1x1x16xf32> to vector<16xf32>
        %swap3A_460 = vector.shape_cast %add3A_453 : vector<16xf32> to vector<1x1x16xf32>
        tpu.vector_store %arg8[%swap3A_455, %swap3A_456, %swap3A_457], %swap3A_460 {strides = array<i32>} : memref<4x200x128xf32, #tpu.memory_space<vmem>>, vector<1x1x16xf32>,
        %get3A_461 = arith.constant 3 : i32
        %get3A_462 = arith.index_cast %get3A_461 : i32 to index
        %get3A_463 = arith.index_cast %add3A_420 : i32 to index
        %get3A_464 = arith.constant 32 : index
        %get3A_465 = tpu.vector_load %arg8[%get3A_462, %get3A_463, %get3A_464] {strides = array<i32>} : memref<4x200x128xf32, #tpu.memory_space<vmem>>, vector<1x1x16xf32>,
        %get3A_466 = vector.shape_cast %get3A_465 : vector<1x1x16xf32> to vector<16xf32>
        %mul3A_467 = arith.constant 64 : i32
        %mul3A_468 = arith.muli %add3A_420, %mul3A_467 : i32
        %add3A_469 = arith.constant 32 : i32
        %add3A_470 = arith.addi %mul3A_468, %add3A_469 : i32
        %get3A_471 = arith.index_cast %add3A_470 : i32 to index
        %get3A_472 = tpu.vector_load %arg7[%get3A_471] {strides = array<i32>} : memref<12800xf32, #tpu.memory_space<vmem>>, vector<16xf32>,
        %get3A_473 = vector.shape_cast %get3A_472 : vector<16xf32> to vector<16xf32>
        %add3A_474 = arith.addf %get3A_466, %get3A_473 : vector<16xf32>
        %swap3A_475 = arith.constant 3 : i32
        %swap3A_476 = arith.index_cast %swap3A_475 : i32 to index
        %swap3A_477 = arith.index_cast %add3A_420 : i32 to index
        %swap3A_478 = arith.constant 32 : index
        %swap3A_479 = tpu.vector_load %arg8[%swap3A_476, %swap3A_477, %swap3A_478] {strides = array<i32>} : memref<4x200x128xf32, #tpu.memory_space<vmem>>, vector<1x1x16xf32>,
        %swap3A_480 = vector.shape_cast %swap3A_479 : vector<1x1x16xf32> to vector<16xf32>
        %swap3A_481 = vector.shape_cast %add3A_474 : vector<16xf32> to vector<1x1x16xf32>
        tpu.vector_store %arg8[%swap3A_476, %swap3A_477, %swap3A_478], %swap3A_481 {strides = array<i32>} : memref<4x200x128xf32, #tpu.memory_space<vmem>>, vector<1x1x16xf32>,
        %get3A_482 = arith.constant 3 : i32
        %get3A_483 = arith.index_cast %get3A_482 : i32 to index
        %get3A_484 = arith.index_cast %add3A_420 : i32 to index
        %get3A_485 = arith.constant 48 : index
        %get3A_486 = tpu.vector_load %arg8[%get3A_483, %get3A_484, %get3A_485] {strides = array<i32>} : memref<4x200x128xf32, #tpu.memory_space<vmem>>, vector<1x1x16xf32>,
        %get3A_487 = vector.shape_cast %get3A_486 : vector<1x1x16xf32> to vector<16xf32>
        %mul3A_488 = arith.constant 64 : i32
        %mul3A_489 = arith.muli %add3A_420, %mul3A_488 : i32
        %add3A_490 = arith.constant 48 : i32
        %add3A_491 = arith.addi %mul3A_489, %add3A_490 : i32
        %get3A_492 = arith.index_cast %add3A_491 : i32 to index
        %get3A_493 = tpu.vector_load %arg7[%get3A_492] {strides = array<i32>} : memref<12800xf32, #tpu.memory_space<vmem>>, vector<16xf32>,
        %get3A_494 = vector.shape_cast %get3A_493 : vector<16xf32> to vector<16xf32>
        %add3A_495 = arith.addf %get3A_487, %get3A_494 : vector<16xf32>
        %swap3A_496 = arith.constant 3 : i32
        %swap3A_497 = arith.index_cast %swap3A_496 : i32 to index
        %swap3A_498 = arith.index_cast %add3A_420 : i32 to index
        %swap3A_499 = arith.constant 48 : index
        %swap3A_500 = tpu.vector_load %arg8[%swap3A_497, %swap3A_498, %swap3A_499] {strides = array<i32>} : memref<4x200x128xf32, #tpu.memory_space<vmem>>, vector<1x1x16xf32>,
        %swap3A_501 = vector.shape_cast %swap3A_500 : vector<1x1x16xf32> to vector<16xf32>
        %swap3A_502 = vector.shape_cast %add3A_495 : vector<16xf32> to vector<1x1x16xf32>
        tpu.vector_store %arg8[%swap3A_497, %swap3A_498, %swap3A_499], %swap3A_502 {strides = array<i32>} : memref<4x200x128xf32, #tpu.memory_space<vmem>>, vector<1x1x16xf32>,
      }
      %scan3A_396 = arith.constant 200 : i32
      %mul3A_397 = arith.constant 200 : i32
      %mul3A_398 = arith.muli %add3A_352, %mul3A_397 : i32
      %add3A_399 = arith.addi %mul3A_2, %mul3A_398 : i32
      %dma_start3A_400 = arith.constant 3 : i32
      %dma_start3A_401 = arith.constant 3 : i32
      %dma_start3A_402 = arith.constant 0 : i32
      %dma_start3A_403 = arith.constant 0 : i32
      %dma_start3A_404 = tpu.memref_slice %arg8[%dma_start3A_400, %dma_start3A_402, %dma_start3A_403] : memref<4x200x128xf32, #tpu.memory_space<vmem>> -> memref<1x200x128xf32, #tpu.memory_space<vmem>>
      %dma_start3A_405 = tpu.memref_squeeze %dma_start3A_404 : memref<1x200x128xf32, #tpu.memory_space<vmem>> -> memref<200x128xf32, #tpu.memory_space<vmem>>
      %dma_start3A_406 = arith.constant 0 : i32
      %dma_start3A_407 = tpu.memref_slice %arg5[%add3A_399, %dma_start3A_406] : memref<204800x128xf32, #tpu.memory_space<hbm>> -> memref<200x128xf32, #tpu.memory_space<hbm>>
      %dma_start3A_408 = tpu.memref_slice %arg10[%dma_start3A_401] : memref<4x!tpu.dma_semaphore, #tpu.memory_space<semaphore_mem>> -> memref<1x!tpu.dma_semaphore, #tpu.memory_space<semaphore_mem>>
      %dma_start3A_409 = tpu.memref_squeeze %dma_start3A_408 : memref<1x!tpu.dma_semaphore, #tpu.memory_space<semaphore_mem>> -> memref<!tpu.dma_semaphore, #tpu.memory_space<semaphore_mem>>
      %dma_start3A_410 = arith.constant 0 : i32
      %dma_start3A_411 = tpu.memref_slice %arg5[%add3A_399, %dma_start3A_410] : memref<204800x128xf32, #tpu.memory_space<hbm>> -> memref<200x128xf32, #tpu.memory_space<hbm>>
      %dma_start3A_412 = arith.constant 0 : i32
      %dma_start3A_413 = arith.constant 0 : i32
      %dma_start3A_414 = tpu.memref_slice %arg8[%dma_start3A_400, %dma_start3A_412, %dma_start3A_413] : memref<4x200x128xf32, #tpu.memory_space<vmem>> -> memref<1x200x128xf32, #tpu.memory_space<vmem>>
      %dma_start3A_415 = tpu.memref_squeeze %dma_start3A_414 : memref<1x200x128xf32, #tpu.memory_space<vmem>> -> memref<200x128xf32, #tpu.memory_space<vmem>>
      tpu.enqueue_dma source(%dma_start3A_415 : memref<200x128xf32, #tpu.memory_space<vmem>>) target(%dma_start3A_411 : memref<200x128xf32, #tpu.memory_space<hbm>>) target_semaphore(%dma_start3A_409 : memref<!tpu.dma_semaphore, #tpu.memory_space<semaphore_mem>>)
    }
    %scan3A_83 = arith.constant 8 : i32
    %add3A_84 = arith.constant 5600 : i32
    %add3A_85 = arith.addi %mul3A_2, %add3A_84 : i32
    %dma_wait3A = arith.constant 0 : i32
    %dma_wait3A_86 = arith.constant 0 : i32
    %dma_wait3A_87 = arith.constant 0 : i32
    %dma_wait3A_88 = arith.constant 0 : i32
    %dma_wait3A_89 = tpu.memref_slice %arg8[%dma_wait3A, %dma_wait3A_87, %dma_wait3A_88] : memref<4x200x128xf32, #tpu.memory_space<vmem>> -> memref<1x200x128xf32, #tpu.memory_space<vmem>>
    %dma_wait3A_90 = tpu.memref_squeeze %dma_wait3A_89 : memref<1x200x128xf32, #tpu.memory_space<vmem>> -> memref<200x128xf32, #tpu.memory_space<vmem>>
    %dma_wait3A_91 = arith.constant 0 : i32
    %dma_wait3A_92 = tpu.memref_slice %arg5[%add3A_85, %dma_wait3A_91] : memref<204800x128xf32, #tpu.memory_space<hbm>> -> memref<200x128xf32, #tpu.memory_space<hbm>>
    %dma_wait3A_93 = tpu.memref_slice %arg10[%dma_wait3A_86] : memref<4x!tpu.dma_semaphore, #tpu.memory_space<semaphore_mem>> -> memref<1x!tpu.dma_semaphore, #tpu.memory_space<semaphore_mem>>
    %dma_wait3A_94 = tpu.memref_squeeze %dma_wait3A_93 : memref<1x!tpu.dma_semaphore, #tpu.memory_space<semaphore_mem>> -> memref<!tpu.dma_semaphore, #tpu.memory_space<semaphore_mem>>
    %dma_wait3A_95 = arith.constant 0 : i32
    %dma_wait3A_96 = tpu.memref_slice %arg5[%add3A_85, %dma_wait3A_95] : memref<204800x128xf32, #tpu.memory_space<hbm>> -> memref<200x128xf32, #tpu.memory_space<hbm>>
    %dma_wait3A_97 = arith.constant 0 : i32
    %dma_wait3A_98 = arith.constant 0 : i32
    %dma_wait3A_99 = tpu.memref_slice %arg8[%dma_wait3A, %dma_wait3A_97, %dma_wait3A_98] : memref<4x200x128xf32, #tpu.memory_space<vmem>> -> memref<1x200x128xf32, #tpu.memory_space<vmem>>
    %dma_wait3A_100 = tpu.memref_squeeze %dma_wait3A_99 : memref<1x200x128xf32, #tpu.memory_space<vmem>> -> memref<200x128xf32, #tpu.memory_space<vmem>>
    tpu.wait_dma2 semaphore(%dma_wait3A_94 : memref<!tpu.dma_semaphore, #tpu.memory_space<semaphore_mem>>) src(%dma_wait3A_100 : memref<200x128xf32, #tpu.memory_space<vmem>>) dst(%dma_wait3A_96 : memref<200x128xf32, #tpu.memory_space<hbm>>)
    %add3A_101 = arith.constant 5800 : i32
    %add3A_102 = arith.addi %mul3A_2, %add3A_101 : i32
    %dma_wait3A_103 = arith.constant 1 : i32
    %dma_wait3A_104 = arith.constant 1 : i32
    %dma_wait3A_105 = arith.constant 0 : i32
    %dma_wait3A_106 = arith.constant 0 : i32
    %dma_wait3A_107 = tpu.memref_slice %arg8[%dma_wait3A_103, %dma_wait3A_105, %dma_wait3A_106] : memref<4x200x128xf32, #tpu.memory_space<vmem>> -> memref<1x200x128xf32, #tpu.memory_space<vmem>>
    %dma_wait3A_108 = tpu.memref_squeeze %dma_wait3A_107 : memref<1x200x128xf32, #tpu.memory_space<vmem>> -> memref<200x128xf32, #tpu.memory_space<vmem>>
    %dma_wait3A_109 = arith.constant 0 : i32
    %dma_wait3A_110 = tpu.memref_slice %arg5[%add3A_102, %dma_wait3A_109] : memref<204800x128xf32, #tpu.memory_space<hbm>> -> memref<200x128xf32, #tpu.memory_space<hbm>>
    %dma_wait3A_111 = tpu.memref_slice %arg10[%dma_wait3A_104] : memref<4x!tpu.dma_semaphore, #tpu.memory_space<semaphore_mem>> -> memref<1x!tpu.dma_semaphore, #tpu.memory_space<semaphore_mem>>
    %dma_wait3A_112 = tpu.memref_squeeze %dma_wait3A_111 : memref<1x!tpu.dma_semaphore, #tpu.memory_space<semaphore_mem>> -> memref<!tpu.dma_semaphore, #tpu.memory_space<semaphore_mem>>
    %dma_wait3A_113 = arith.constant 0 : i32
    %dma_wait3A_114 = tpu.memref_slice %arg5[%add3A_102, %dma_wait3A_113] : memref<204800x128xf32, #tpu.memory_space<hbm>> -> memref<200x128xf32, #tpu.memory_space<hbm>>
    %dma_wait3A_115 = arith.constant 0 : i32
    %dma_wait3A_116 = arith.constant 0 : i32
    %dma_wait3A_117 = tpu.memref_slice %arg8[%dma_wait3A_103, %dma_wait3A_115, %dma_wait3A_116] : memref<4x200x128xf32, #tpu.memory_space<vmem>> -> memref<1x200x128xf32, #tpu.memory_space<vmem>>
    %dma_wait3A_118 = tpu.memref_squeeze %dma_wait3A_117 : memref<1x200x128xf32, #tpu.memory_space<vmem>> -> memref<200x128xf32, #tpu.memory_space<vmem>>
    tpu.wait_dma2 semaphore(%dma_wait3A_112 : memref<!tpu.dma_semaphore, #tpu.memory_space<semaphore_mem>>) src(%dma_wait3A_118 : memref<200x128xf32, #tpu.memory_space<vmem>>) dst(%dma_wait3A_114 : memref<200x128xf32, #tpu.memory_space<hbm>>)
    %add3A_119 = arith.constant 6000 : i32
    %add3A_120 = arith.addi %mul3A_2, %add3A_119 : i32
    %dma_wait3A_121 = arith.constant 2 : i32
    %dma_wait3A_122 = arith.constant 2 : i32
    %dma_wait3A_123 = arith.constant 0 : i32
    %dma_wait3A_124 = arith.constant 0 : i32
    %dma_wait3A_125 = tpu.memref_slice %arg8[%dma_wait3A_121, %dma_wait3A_123, %dma_wait3A_124] : memref<4x200x128xf32, #tpu.memory_space<vmem>> -> memref<1x200x128xf32, #tpu.memory_space<vmem>>
    %dma_wait3A_126 = tpu.memref_squeeze %dma_wait3A_125 : memref<1x200x128xf32, #tpu.memory_space<vmem>> -> memref<200x128xf32, #tpu.memory_space<vmem>>
    %dma_wait3A_127 = arith.constant 0 : i32
    %dma_wait3A_128 = tpu.memref_slice %arg5[%add3A_120, %dma_wait3A_127] : memref<204800x128xf32, #tpu.memory_space<hbm>> -> memref<200x128xf32, #tpu.memory_space<hbm>>
    %dma_wait3A_129 = tpu.memref_slice %arg10[%dma_wait3A_122] : memref<4x!tpu.dma_semaphore, #tpu.memory_space<semaphore_mem>> -> memref<1x!tpu.dma_semaphore, #tpu.memory_space<semaphore_mem>>
    %dma_wait3A_130 = tpu.memref_squeeze %dma_wait3A_129 : memref<1x!tpu.dma_semaphore, #tpu.memory_space<semaphore_mem>> -> memref<!tpu.dma_semaphore, #tpu.memory_space<semaphore_mem>>
    %dma_wait3A_131 = arith.constant 0 : i32
    %dma_wait3A_132 = tpu.memref_slice %arg5[%add3A_120, %dma_wait3A_131] : memref<204800x128xf32, #tpu.memory_space<hbm>> -> memref<200x128xf32, #tpu.memory_space<hbm>>
    %dma_wait3A_133 = arith.constant 0 : i32
    %dma_wait3A_134 = arith.constant 0 : i32
    %dma_wait3A_135 = tpu.memref_slice %arg8[%dma_wait3A_121, %dma_wait3A_133, %dma_wait3A_134] : memref<4x200x128xf32, #tpu.memory_space<vmem>> -> memref<1x200x128xf32, #tpu.memory_space<vmem>>
    %dma_wait3A_136 = tpu.memref_squeeze %dma_wait3A_135 : memref<1x200x128xf32, #tpu.memory_space<vmem>> -> memref<200x128xf32, #tpu.memory_space<vmem>>
    tpu.wait_dma2 semaphore(%dma_wait3A_130 : memref<!tpu.dma_semaphore, #tpu.memory_space<semaphore_mem>>) src(%dma_wait3A_136 : memref<200x128xf32, #tpu.memory_space<vmem>>) dst(%dma_wait3A_132 : memref<200x128xf32, #tpu.memory_space<hbm>>)
    %add3A_137 = arith.constant 6200 : i32
    %add3A_138 = arith.addi %mul3A_2, %add3A_137 : i32
    %dma_wait3A_139 = arith.constant 3 : i32
    %dma_wait3A_140 = arith.constant 3 : i32
    %dma_wait3A_141 = arith.constant 0 : i32
    %dma_wait3A_142 = arith.constant 0 : i32
    %dma_wait3A_143 = tpu.memref_slice %arg8[%dma_wait3A_139, %dma_wait3A_141, %dma_wait3A_142] : memref<4x200x128xf32, #tpu.memory_space<vmem>> -> memref<1x200x128xf32, #tpu.memory_space<vmem>>
    %dma_wait3A_144 = tpu.memref_squeeze %dma_wait3A_143 : memref<1x200x128xf32, #tpu.memory_space<vmem>> -> memref<200x128xf32, #tpu.memory_space<vmem>>
    %dma_wait3A_145 = arith.constant 0 : i32
    %dma_wait3A_146 = tpu.memref_slice %arg5[%add3A_138, %dma_wait3A_145] : memref<204800x128xf32, #tpu.memory_space<hbm>> -> memref<200x128xf32, #tpu.memory_space<hbm>>
    %dma_wait3A_147 = tpu.memref_slice %arg10[%dma_wait3A_140] : memref<4x!tpu.dma_semaphore, #tpu.memory_space<semaphore_mem>> -> memref<1x!tpu.dma_semaphore, #tpu.memory_space<semaphore_mem>>
    %dma_wait3A_148 = tpu.memref_squeeze %dma_wait3A_147 : memref<1x!tpu.dma_semaphore, #tpu.memory_space<semaphore_mem>> -> memref<!tpu.dma_semaphore, #tpu.memory_space<semaphore_mem>>
    %dma_wait3A_149 = arith.constant 0 : i32
    %dma_wait3A_150 = tpu.memref_slice %arg5[%add3A_138, %dma_wait3A_149] : memref<204800x128xf32, #tpu.memory_space<hbm>> -> memref<200x128xf32, #tpu.memory_space<hbm>>
    %dma_wait3A_151 = arith.constant 0 : i32
    %dma_wait3A_152 = arith.constant 0 : i32
    %dma_wait3A_153 = tpu.memref_slice %arg8[%dma_wait3A_139, %dma_wait3A_151, %dma_wait3A_152] : memref<4x200x128xf32, #tpu.memory_space<vmem>> -> memref<1x200x128xf32, #tpu.memory_space<vmem>>
    %dma_wait3A_154 = tpu.memref_squeeze %dma_wait3A_153 : memref<1x200x128xf32, #tpu.memory_space<vmem>> -> memref<200x128xf32, #tpu.memory_space<vmem>>
    tpu.wait_dma2 semaphore(%dma_wait3A_148 : memref<!tpu.dma_semaphore, #tpu.memory_space<semaphore_mem>>) src(%dma_wait3A_154 : memref<200x128xf32, #tpu.memory_space<vmem>>) dst(%dma_wait3A_150 : memref<200x128xf32, #tpu.memory_space<hbm>>)
    return
  }
}

</mosaic_0001>

<sc_bundles>
// kernel: kernel.3.cloned.1.call-start
scs
__scs_entry_jumppad:
0x0: {  	(pc) =	sbr.rel $0x88, $3  }
0x1: {  	(tag) =	ssettag $0x0;
	lr =	simm.s32 $0x1  }
0x2: {  	[smem:$0x3F9E] =	sst lr;
	_ =	strace $0xD0000000  }
0x3: {  	_ = 	snop  }
0x4: {  	_ = 	snop  }
0x5: {  	_ = 	snop  }
0x6: {  	_ = 	snop  }
0x7: {  	_ = 	snop  }
__scs_overlays_trampoline_lowered:
0x8: {  	[smem:$0x3FAD] =	sst s0  }
0x9: {  	[smem:$0x3FAE] =	sst s1  }
0xa: {  	[smem:$0x3FAF] =	sst s2  }
0xb: {  	[smem:$0x3FB0] =	sst s3  }
0xc: {  	[smem:$0x3FB1] =	sst s4  }
0xd: {  	[smem:$0x3FB2] =	sst s5  }
0xe: {  	[smem:$0x3FB3] =	sst s6  }
0xf: {  	[smem:$0x3FB4] =	sst s7  }
0x10: {  	[smem:$0x3FB5] =	sst s8  }
0x11: {  	[smem:$0x3FB6] =	sst s9;
	s0 =	simm.s32 @!p0 $0x0  }
0x12: {  	s1 =	sld [smem:$0x3F9C];
	s0 =	simm.s32 @p0 $0x1  }
0x13: {  	[smem:$0x3FB7] =	sst s0;
	s0 =	simm.s32 @!p1 $0x0  }
0x14: {  	s2 =	sld [smem:$0x3F9B];
	s0 =	simm.s32 @p1 $0x1  }
0x15: {  	[smem:$0x3FB8] =	sst s0;
	s0 =	simm.s32 @!p2 $0x0  }
0x16: {  	s3 =	sld [smem:$0x3FDB];
	s0 =	simm.s32 @p2 $0x1  }
0x17: {  	s4 =	simm.s32 $0x1BF5;
	[smem:$0x3FBA] =	sst s0  }
0x18: {  	s0 =	sld [smem:$0x3F9D];
	_ =	swait.ge [sflag:s4], $0x0  }
0x19: {  	s7 =	sld [smem:$0x3F9E]  }
0x1a: {  	s8 =	sadd.s32 $0xFFFFE003, lr  }
0x1b: {  	s9 =	sadd.s32 $0xFFFFFEF7, lr;
	s5 =	simm.s32 $0xFFFFFFFF;
	p2 =	slt.u32 s8, $0xFFFFF086  }
0x1c: {  	p1 =	slt.u32 s9, $0xF7A;
	s5 =	simm.s32 @!p2 $0x0  }
0x1d: {  	s5 =	simm.s32 @p1 $0x1;
	p0 =	seq.s32 s7, s2  }
0x1e: {  	s7 =	smul.u32 @!p0 $0xF7A, s2;
	p2 =	seq.s32 @!p0 s5, $0x0  }
0x1f: {  	s9 =	smul.u32 $0xF7A, s1;
	s8 =	simm.s32 @!p0 $0x1BF5;
	p2 =	por !p2, p0  }
0x20: {  	[sflag:s8] =	ssyncset.s32 @!p0 $0xFFFFF086;
	s6 =	sadd.s32 @!p0 s3, s7;
	s7 =	simm.s32 @!p0 $0x108  }
0x21: {  	s3 =	sadd.s32 s3, s9;
	s6 =	sadd.s32 @!p0 $0x88, s6;
	s7 =	simm.s32 @p2 $0x1082  }
0x22: {  	[simem:s7], [sflag:s8] =	dma.local @!p0 [hbm:s6], $0xF7A  }
0x23: {  	s9 =	sor.u32 $0xD0000000, s2;
	s6 =	simm.s32 $0x108;
	_ =	swait.ge @!p0 [sflag:s8], $0x0  }
0x24: {  	s3 =	sadd.s32 $0x88, s3;
	s6 =	simm.s32 @!p1 $0x1082;
	[sflag:s4] =	ssyncset.s32 $0xFFFFF086  }
0x25: {  	[simem:s6], [sflag:s4] =	dma.local [hbm:s3], $0xF7A  }
0x26: {  	[smem:$0x3F9E] =	sst s1;
	(tag) =	ssettag s2;
	_ =	strace s9  }
0x27: {  	s1 =	sld [smem:$0x3FAE]  }
0x28: {  	s2 =	sld [smem:$0x3FAF]  }
0x29: {  	s4 =	sld [smem:$0x3FB1]  }
0x2a: {  	p0 =	seq.s32 s5, $0x0;
	s5 =	sld [smem:$0x3FB2]  }
0x2b: {  	s6 =	sld [smem:$0x3FB3]  }
0x2c: {  	s7 =	sld [smem:$0x3FB4]  }
0x2d: {  	s3 =	simm.s32 $0x108;
	s8 =	sld [smem:$0x3FB5]  }
0x2e: {  	s3 =	simm.s32 @!p0 $0x1082;
	s9 =	sld [smem:$0x3FB6]  }
0x2f: {  	lr =	sadd.s32 s0, s3;
	s0 =	sld [smem:$0x3FAD]  }
0x30: {  	s3 =	sld [smem:$0x3FB0]  }
0x31: {  	[smem:$0x3FB9] =	sst s10  }
0x32: {  	s10 =	sld [smem:$0x3FB7];
	_ =	sdelay $0x3  }
0x33: {  	p0 =	seq.s32 s10, $0x1;
	s10 =	sld [smem:$0x3FB9];
	_ =	sdelay $0x3  }
0x34: {  	[smem:$0x3FB9] =	sst s10  }
0x35: {  	s10 =	sld [smem:$0x3FB8];
	_ =	sdelay $0x3  }
0x36: {  	p1 =	seq.s32 s10, $0x1;
	s10 =	sld [smem:$0x3FB9];
	_ =	sdelay $0x3  }
0x37: {  	[smem:$0x3FB9] =	sst s10  }
0x38: {  	s10 =	sld [smem:$0x3FBA]  }
0x39: {  	_ = 	snop;
	(pc) =	sbr.ind lr, $3  }
0x3a: {  	_ = 	snop  }
0x3b: {  	_ = 	snop  }
0x3c: {  	p2 =	seq.s32 s10, $0x1;
	s10 =	sld [smem:$0x3FB9]  }
0x3d: {  	_ =	shalt  }
0x3e: {  	_ =	shalt  }
0x3f: {  	_ =	shalt  }
0x40: {  	_ =	shalt  }
0x41: {  	_ =	shalt  }
0x42: {  	_ =	shalt  }
0x43: {  	_ =	shalt  }
0x44: {  	_ =	shalt  }
0x45: {  	_ =	shalt  }
0x46: {  	_ =	shalt  }
0x47: {  	_ =	shalt  }
0x48: {  	_ =	shalt  }
0x49: {  	_ =	shalt  }
0x4a: {  	_ =	shalt  }
0x4b: {  	_ =	shalt  }
0x4c: {  	_ =	shalt  }
0x4d: {  	_ =	shalt  }
0x4e: {  	_ =	shalt  }
0x4f: {  	_ =	shalt  }
0x50: {  	_ =	shalt  }
0x51: {  	_ =	shalt  }
0x52: {  	_ =	shalt  }
0x53: {  	_ =	shalt  }
0x54: {  	_ =	shalt  }
0x55: {  	_ =	shalt  }
0x56: {  	_ =	shalt  }
0x57: {  	_ =	shalt  }
0x58: {  	_ =	shalt  }
0x59: {  	_ =	shalt  }
0x5a: {  	_ =	shalt  }
0x5b: {  	_ =	shalt  }
0x5c: {  	_ =	shalt  }
0x5d: {  	_ =	shalt  }
0x5e: {  	_ =	shalt  }
0x5f: {  	_ =	shalt  }
0x60: {  	_ =	shalt  }
0x61: {  	_ =	shalt  }
0x62: {  	_ =	shalt  }
0x63: {  	_ =	shalt  }
0x64: {  	_ =	shalt  }
0x65: {  	_ =	shalt  }
0x66: {  	_ =	shalt  }
0x67: {  	_ =	shalt  }
0x68: {  	_ =	shalt  }
0x69: {  	_ =	shalt  }
0x6a: {  	_ =	shalt  }
0x6b: {  	_ =	shalt  }
0x6c: {  	_ =	shalt  }
0x6d: {  	_ =	shalt  }
0x6e: {  	_ =	shalt  }
0x6f: {  	_ =	shalt  }
0x70: {  	_ =	shalt  }
0x71: {  	_ =	shalt  }
0x72: {  	_ =	shalt  }
0x73: {  	_ =	shalt  }
0x74: {  	_ =	shalt  }
0x75: {  	_ =	shalt  }
0x76: {  	_ =	shalt  }
0x77: {  	_ =	shalt  }
0x78: {  	_ =	shalt  }
0x79: {  	_ =	shalt  }
0x7a: {  	_ =	shalt  }
0x7b: {  	_ =	shalt  }
0x7c: {  	_ =	shalt  }
0x7d: {  	_ =	shalt  }
0x7e: {  	_ =	shalt  }
0x7f: {  	_ =	shalt  }
0x80: {  	_ =	shalt  }
0x81: {  	_ =	shalt  }
0x82: {  	_ =	shalt  }
0x83: {  	_ =	shalt  }
0x84: {  	_ =	shalt  }
0x85: {  	_ =	shalt  }
0x86: {  	_ =	shalt  }
0x87: {  	_ =	shalt  }
.Lfunc_end0:
.L_simem_size_0:
called_computation.1_lowered:
.L_overlay_start_0:
0x88: {  	s2 =	sld [smem:$0x3FD9]  }
0x89: {  	s3 =	sld [smem:$0x3FFE];
	_ =	sdelay $0x1  }
0x8a: {  	s1 =	srdreg.scid  }
0x8b: {  	s0 =	sand.u32 $0x1, s1  }
0x8c: {  	s17 =	sshll.u32 s0, $0xA;
	s2 =	sadd.s32 s3, s2  }
0x8d: {  	s2 =	sadd.s32 s2, s17  }
0x8e: {  	[smem:$0x3FC5] =	sst s2  }
0x8f: {  	_ = 	snop  }
0x90: {  	s2 =	sld [smem:$0x3FD0];
	(tm) =	ssettm $0x1  }
0x91: {  	s18 =	sld [smem:$0x3FFB];
	_ =	sdelay $0x3  }
0x92: {  	_ =	strace s18  }
0x93: {  	s3 =	sld [smem:$0x3FFC];
	_ =	sdelay $0x3  }
0x94: {  	_ =	strace s3  }
0x95: {  	s3 =	sld [smem:$0x3FFD];
	_ =	sdelay $0x3  }
0x96: {  	_ =	strace s3  }
0x97: {  	_ =	strace $0x8FFFFFFF  }
0x98: {  	s19 =	sld [smem:$0x3FDB];
	_ =	sdelay $0x1  }
0x99: {  	s4 =	simm.s32 $_scs_section_size  }
0x9a: {  	s5 =	simm.s32 $_size__tile_overlayer_lowered;
	s6 =	simm.s32 $_tile_overlayer_lowered  }
0x9b: {  	s22 =	simm.s32 $0x1BFF;
	s21 =	sshll.u32 s6, $0x1;
	s3 =	sadd.s32 s4, s19  }
0x9c: {  	s7 =	simm.s32 $0x0;
	s20 =	sshll.u32 s5, $0x1;
	s5 =	sadd.s32 s21, s3  }
0x9d: {  	[timem:s7], [sflag:s22] =	dma.local [hbm:s5], s20  }
0x9e: {  	_ =	swait.ge [sflag:s22], s20  }
0x9f: {  	s4 =	ssub.s32 $0x0, s20;
	[sflag:s22] =	ssyncset.done $0x0  }
0xa0: {  	[sflag:s22] =	ssyncadd.s32 s4;
	_ =	sdelay $0x1  }
0xa1: {  	s23 =	simm.s32 $0x1B8B  }
0xa2: {  	_ =	swait.ge [sflag:s23], $0x1  }
0xa3: {  	[sflag:s23] =	ssyncset.done $0x0  }
0xa4: {  	s25 =	simm.s32 $0x1B8E;
	s24 =	sld [smem:$0x3FFE];
	[sflag:s23] =	ssyncadd.s32 $0xFFFFFFFF  }
0xa5: {  	s26 =	simm.s32 $execute0_lowered;
	[smem:$0x3FD2] =	sst s25  }
0xa6: {  	s5 =	sshll.u32 s26, $0x1;
	_ =	strace $0x80000046;
	[dreg:$0x1] =	wrdreg $0xFFFFFFFF  }
0xa7: {  	s28 =	simm.s32 $_size_execute0_lowered;
	s3 =	sadd.s32 s3, s5;
	[dreg:$0x0] =	wrdreg $0x0  }
0xa8: {  	s5 =	sshll.u32 s28, $0x1;
	[dreg:$0x2] =	wrdreg s3  }
0xa9: {  	[dreg:$0x3] =	wrdreg s5  }
0xaa: {  	[dreg:$0x4] =	wrdreg $0xC0  }
0xab: {  	_ =	task [dreg:s7], $0x5FFFF  }
0xac: {  	[dreg:$0x1] =	wrdreg $0xFFFFFFFF  }
0xad: {  	[dreg:$0x0] =	wrdreg $0x60  }
0xae: {  	[dreg:$0x2] =	wrdreg s24  }
0xaf: {  	[dreg:$0x3] =	wrdreg s2  }
0xb0: {  	[dreg:$0x4] =	wrdreg $0x9  }
0xb1: {  	_ =	task.clear_ibuf [dreg:s7], $0x5FFFF;
	_ =	strace $0x90000046  }
0xb2: {  	s29 =	simm.s32 $0x9;
	_ =	strace $0x80000048  }
0xb3: {  	_ =	swait.ge [sflag:s29], $0x1  }
0xb4: {  	[sflag:s29] =	ssyncadd.s32 $0xFFFFFFFF  }
0xb5: {  	_ =	strace $0x90000048  }
0xb6: {  	_ =	sfence  }
0xb7: {  	s30 =	sld [smem:$0x0];
	_ =	sdelay $0x2  }
0xb8: {  	s31 =	sshll.u32 s1, $0xD;
	s1 =	sshrl.u32 s1, $0x2  }
0xb9: {  	s3 =	sand.u32 $0x4000, s31;
	s1 =	sadd.s32 s1, s30  }
0xba: {  	s0 =	sor.u32 s3, s0;
	s1 =	sshll.u32 s1, $0x11  }
0xbb: {  	s0 =	sor.u32 s1, s0  }
0xbc: {  	s0 =	sadd.s32 $0x8F2B, s0  }
0xbd: {  	[sflag:s0] =	ssyncadd.remote.s32 $0x1  }
0xbe: {  	_ =	sfence.sel $0xFFFF  }
0xbf: {  	[dreg:$0x0] =	wrdreg $0xFFFFFFFF;
	(pc) =	sbr.abs _section_cstart, $3  }
0xc0: {  	[dreg:$0x1] =	wrdreg $0xFFFFFFFF  }
0xc1: {  	_ =	task.clear_ibuf [dreg:s7], $0x2FFFF;
	_ =	strace $0x9FFFFFFF  }
0xc2: {  	(tm) =	ssettm $0x7FFFFFFF  }
0xc3: {  	_ =	shalt  }
tec
execute0_lowered:
.L_overlay_start_1:
0x0: {  	(tag) =	ssettag $0x1  }
0x1: {  	s0 =	rddreg [dreg:$0x0]  }
0x2: {  	s1 =	rddreg [dreg:$0x1]  }
0x3: {  	s3 =	srdreg.scid;
	s4 =	stileid.u32;
	s2 =	simm.s32 $0x0  }
0x4: {  	s11 =	simm.s32 $0x9;
	s13 =	simm.s32 $0x80;
	s14 =	simm.s32 $0x4B00  }
0x5: {  	s15 =	simm.s32 $0x48;
	s18 =	simm.s32 $0xAF00;
	s22 =	simm.s32 $0x11300  }
0x6: {  	s28 =	simm.s32 $0x1;
	s29 =	simm.s32 $0x2;
	s30 =	simm.s32 $0x3  }
0x7: {  	s31 =	simm.s32 $0x4;
	s12 =	simm.s32 $0x7;
	s16 =	simm.s32 $0x8  }
0x8: {  	s17 =	simm.s32 $0x0;
	s5 =	sand.u32 $0x1, s3;
	[smem:$0x7FF] =	sst s2  }
0x9: {  	s25 =	sshll.u32 s4, $0x1;
	s4 =	sadd.s32 $0x1314E00, s0;
	s6 =	sadd.s32 $0x3D1A00, s0  }
0xa: {  	s3 =	sor.u32 s5, s25;
	_ =	strace $0x80000047;
	s5 =	ssub.s32 $0x2, s5  }
0xb: {  	[dreg:$0x3] =	wrdreg s6;
	s3 =	smul.u32 $0x1900, s3;
	s26 =	sshrl.u32 s5, $0x1  }
0xc: {  	s6 =	sadd.s32 $0x1000, s0;
	s25 =	simm.s32 $0x17700;
	s0 =	ssub.s32 s5, s26  }
0xd: {  	s26 =	simm.s32 $0x1B700;
	s7 =	sshrl.u32 s3, $0x3;
	s8 =	sor.u32 $0xC8, s3  }
0xe: {  	s9 =	sadd.s32 $0x190, s3;
	s10 =	smax.u32 s0, $0x1;
	s1 =	sadd.s32 s1, s7  }
0xf: {  	s0 =	simm.s32 $0x5;
	[dreg:$0x4] =	wrdreg s1;
	s1 =	simm.s32 $0x6  }
.LBB2_1:
0x10: {  	s5 =	rddreg [dreg:$0x4]  }
0x11: {  	[tilespmem:s2], [sflag:$0x9] =	stream.linear.gather [hbm4b:s5+s2], $0x1900, $0x38;
	[tilespmem:$0x1DB00] =	vst v63  }
0x12: {  	_ =	swait.ge [sflag:s11], $0x1900  }
0x13: {  	[sflag:s11] =	ssyncset.done $0x0  }
0x14: {  	s7 =	simm.s32 $0x1900;
	s23 =	rddreg [dreg:$0x3];
	[sflag:s11] =	ssyncadd.s32 $0xFFFFE700  }
0x15: {  	[tilespmem:s7], [sflag:$0x9] =	stream.linear.gather [hbm4b:s23+s2], $0x3200, $0x38;
	[tilespmem:$0x1DB00] =	vst v63  }
0x16: {  	_ =	swait.ge [sflag:s11], $0x3200  }
0x17: {  	[sflag:s11] =	ssyncset.done $0x0  }
0x18: {  	[sflag:s11] =	ssyncadd.s32 $0xFFFFCE00  }
0x19: {  	[tilespmem:s14], [sflag:$0x1] =	stream.indirect.gather [hbm4b:s4+s13], $0x80, s2, s13, $0xb8;
	[tilespmem:$0x1DB00] =	vst v63  }
0x1a: {  	s24 =	simm.s32 $0x8B00  }
0x1b: {  	[tilespmem:s24], [sflag:$0x1] =	stream.indirect.gather [hbm4b:s4+s15], $0x80, s13, s15, $0xb8;
	[tilespmem:$0x1DB00] =	vst v63  }
0x1c: {  	s7 =	simm.s32 $0xC8  }
0x1d: {  	[tilespmem:s18], [sflag:$0x2] =	stream.indirect.gather [hbm4b:s4+s13], $0x80, s7, s13, $0xb8;
	[tilespmem:$0x1DB00] =	vst v63  }
0x1e: {  	s19 =	simm.s32 $0x148;
	s20 =	simm.s32 $0xEF00  }
0x1f: {  	[tilespmem:s20], [sflag:$0x2] =	stream.indirect.gather [hbm4b:s4+s15], $0x80, s19, s15, $0xb8;
	[tilespmem:$0x1DB00] =	vst v63  }
0x20: {  	s21 =	simm.s32 $0x190  }
0x21: {  	[tilespmem:s22], [sflag:$0x3] =	stream.indirect.gather [hbm4b:s4+s13], $0x80, s21, s13, $0xb8;
	[tilespmem:$0x1DB00] =	vst v63  }
0x22: {  	s23 =	simm.s32 $0x210;
	s24 =	simm.s32 $0x15300;
	s19 =	simm.s32 $0x0  }
0x23: {  	[tilespmem:s24], [sflag:$0x3] =	stream.indirect.gather [hbm4b:s4+s15], $0x80, s23, s15, $0xb8;
	[tilespmem:$0x1DB00] =	vst v63  }
.LBB2_2:
0x24: {  	p0 =	seq.s32 s19, $0x0  }
0x25: {  	s5 =	simm.s32 @!p0 $0x8  }
0x26: {  	s21 =	smul.u32 $0x320, s19;
	_ =	swait.ge @!p0 [sflag:s5], $0x6400  }
0x27: {  	[sflag:s5] =	ssyncset.done @!p0 $0x0  }
0x28: {  	s20 =	sadd.s32 $0x258, s21;
	[sflag:s5] =	ssyncadd.s32 @!p0 $0xFFFF9C00  }
0x29: {  	[tilespmem:s25], [sflag:$0x4] =	stream.indirect.gather [hbm4b:s4+s13], $0x80, s20, s13, $0xb8;
	[tilespmem:$0x1DB00] =	vst v63  }
0x2a: {  	s24 =	sadd.s32 $0x2D8, s21  }
0x2b: {  	[tilespmem:s26], [sflag:$0x4] =	stream.indirect.gather [hbm4b:s4+s15], $0x80, s24, s15, $0xb8;
	[tilespmem:$0x1DB00] =	vst v63  }
0x2c: {  	_ =	swait.ge [sflag:s28], $0x4000  }
0x2d: {  	[sflag:s28] =	ssyncset.done $0x0  }
0x2e: {  	[sflag:s28] =	ssyncadd.s32 $0xFFFFC000  }
0x2f: {  	_ =	swait.ge [sflag:s28], $0x2400  }
0x30: {  	[sflag:s28] =	ssyncset.done $0x0  }
0x31: {  	s24 =	simm.s32 $0x4B20;
	[sflag:s28] =	ssyncadd.s32 $0xFFFFDC00  }
0x32: {  	s7 =	simm.s32 $0x100;
	s23 =	simm.s32 $0x4B20;
	s5 =	simm.s32 $0x0;
	v0 =	vld [tilespmem:s24+$0xFFFFFFE0]  }
.LBB2_3:
0x33: {  	p0 =	sne.s32 s7, $0xC700;
	v1 =	vld [tilespmem:s5+$0x1900];
	_ =	sdelay $0x4  }
0x34: {  	v0 =	vadd.f32 v1, v0;
	_ =	sdelay $0x1  }
0x35: {  	[tilespmem:s24+$0xFFFFFFE0] =	vst v0;
	v0 =	vld [tilespmem:s24+$0xFFFFFFF0]  }
0x36: {  	v1 =	vld [tilespmem:s5+$0x1910];
	_ =	sdelay $0x4  }
0x37: {  	v0 =	vadd.f32 v1, v0;
	_ =	sdelay $0x1  }
0x38: {  	[tilespmem:s24+$0xFFFFFFF0] =	vst v0;
	v0 =	vld [tilespmem:s24+$0x0]  }
0x39: {  	v1 =	vld [tilespmem:s5+$0x1920];
	_ =	sdelay $0x4  }
0x3a: {  	v0 =	vadd.f32 v1, v0;
	_ =	sdelay $0x1  }
0x3b: {  	[tilespmem:s24+$0x0] =	vst v0;
	v0 =	vld [tilespmem:s24+$0x10]  }
0x3c: {  	v1 =	vld [tilespmem:s5+$0x1930];
	_ =	sdelay $0x2  }
.Ltmp0:
0x3d: {  	(pc) =	sbr.rel @p0 .LBB2_3-.Ltmp0, $4  }
0x3e: {  	_ = 	snop  }
0x3f: {  	v1 =	vadd.f32 v1, v0  }
0x40: {  	s24 =	sadd.s32 $0x80, s24  }
0x41: {  	s5 =	sshra.s32 s7, $0x2;
	s7 =	sadd.s32 $0x100, s7;
	v0 =	vld [tilespmem:s24+$0xFFFFFFE0];
	[tilespmem:s23+$0x10] =	vst v1;
	s23 =	smov.u32 s24  }
0x42: {  	v1 =	vld [tilespmem:s5+$0x1900];
	_ =	sdelay $0x4  }
0x43: {  	v0 =	vadd.f32 v1, v0;
	_ =	sdelay $0x1  }
0x44: {  	[tilespmem:s24+$0xFFFFFFE0] =	vst v0;
	v0 =	vld [tilespmem:s24+$0xFFFFFFF0]  }
0x45: {  	v1 =	vld [tilespmem:s5+$0x1910];
	_ =	sdelay $0x4  }
0x46: {  	v0 =	vadd.f32 v1, v0;
	_ =	sdelay $0x1  }
0x47: {  	[tilespmem:s24+$0xFFFFFFF0] =	vst v0;
	v0 =	vld [tilespmem:s24+$0x0]  }
0x48: {  	v1 =	vld [tilespmem:s5+$0x1920];
	_ =	sdelay $0x4  }
0x49: {  	v0 =	vadd.f32 v1, v0;
	_ =	sdelay $0x1  }
0x4a: {  	[tilespmem:s24+$0x0] =	vst v0;
	v0 =	vld [tilespmem:s24+$0x10]  }
0x4b: {  	v1 =	vld [tilespmem:s5+$0x1930];
	_ =	sdelay $0x4  }
0x4c: {  	s24 =	sadd.s32 s3, s21;
	v0 =	vadd.f32 v1, v0  }
0x4d: {  	s5 =	sshll.u32 s24, $0x4  }
0x4e: {  	p0 =	seq.s32 s19, $0x7;
	s5 =	sadd.s32 s6, s5;
	[tilespmem:s23+$0x10] =	vst v0  }
0x4f: {  	[hbm4b:s5+s2] =	stream.linear.scatter [tilespmem:s14], [sflag:$0x5], $0x6400, $0x38;
	[tilespmem:$0x1DB00] =	vst v63  }
0x50: {  	s5 =	simm.s32 @!p0 $0x5  }
0x51: {  	_ =	swait.ge @!p0 [sflag:s5], $0x6400  }
0x52: {  	s7 =	simm.s32 @!p0 $0x80;
	[sflag:s5] =	ssyncset.done @!p0 $0x0  }
0x53: {  	s23 =	simm.s32 @!p0 $0x4B00;
	[sflag:s5] =	ssyncadd.s32 @!p0 $0xFFFF9C00;
	s5 =	sadd.s32 @!p0 $0x320, s21  }
0x54: {  	[tilespmem:s23], [sflag:$0x1] =	stream.indirect.gather @!p0 [hbm4b:s4+s7], $0x80, s5, s7, $0xb8;
	[tilespmem:$0x1DB00] =	vst v63  }
0x55: {  	s5 =	sadd.s32 @!p0 $0x3A0, s21;
	s7 =	simm.s32 @!p0 $0x48;
	s23 =	simm.s32 @!p0 $0x8B00  }
0x56: {  	[tilespmem:s23], [sflag:$0x1] =	stream.indirect.gather @!p0 [hbm4b:s4+s7], $0x80, s5, s7, $0xb8;
	[tilespmem:$0x1DB00] =	vst v63  }
0x57: {  	_ =	swait.ge [sflag:s29], $0x4000  }
0x58: {  	[sflag:s29] =	ssyncset.done $0x0  }
0x59: {  	[sflag:s29] =	ssyncadd.s32 $0xFFFFC000  }
0x5a: {  	_ =	swait.ge [sflag:s29], $0x2400  }
0x5b: {  	[sflag:s29] =	ssyncset.done $0x0  }
0x5c: {  	s23 =	simm.s32 $0xFFFF9C00;
	[sflag:s29] =	ssyncadd.s32 $0xFFFFDC00  }
0x5d: {  	s24 =	simm.s32 $0x1920;
	s5 =	simm.s32 $0xFFFE7200;
	v0 =	vld [tilespmem:s23+$0x11300]  }
.LBB2_5:
0x5e: {  	p1 =	sne.s32 s5, $0xFFFFFE00;
	v1 =	vld [tilespmem:s24+$0xFFFFFFE0];
	_ =	sdelay $0x4  }
0x5f: {  	v0 =	vadd.f32 v1, v0;
	_ =	sdelay $0x1  }
0x60: {  	[tilespmem:s23+$0x11300] =	vst v0;
	v0 =	vld [tilespmem:s23+$0x11310]  }
0x61: {  	v1 =	vld [tilespmem:s24+$0xFFFFFFF0];
	_ =	sdelay $0x4  }
0x62: {  	v0 =	vadd.f32 v1, v0;
	_ =	sdelay $0x1  }
0x63: {  	[tilespmem:s23+$0x11310] =	vst v0;
	v0 =	vld [tilespmem:s23+$0x11320]  }
0x64: {  	v1 =	vld [tilespmem:s24+$0x0];
	_ =	sdelay $0x4  }
0x65: {  	v0 =	vadd.f32 v1, v0;
	_ =	sdelay $0x1  }
0x66: {  	[tilespmem:s23+$0x11320] =	vst v0;
	v0 =	vld [tilespmem:s23+$0x11330]  }
0x67: {  	v1 =	vld [tilespmem:s24+$0x10];
	_ =	sdelay $0x2  }
.Ltmp1:
0x68: {  	(pc) =	sbr.rel @p1 .LBB2_5-.Ltmp1, $4  }
0x69: {  	_ = 	snop  }
0x6a: {  	v1 =	vadd.f32 v1, v0  }
0x6b: {  	s7 =	sshra.s32 s5, $0x2  }
0x6c: {  	s5 =	sadd.s32 $0x200, s5;
	s24 =	sadd.s32 $0x40, s24;
	v0 =	vld [tilespmem:s7+$0x11300];
	[tilespmem:s23+$0x11330] =	vst v1;
	s23 =	smov.u32 s7  }
0x6d: {  	v1 =	vld [tilespmem:s24+$0xFFFFFFE0];
	_ =	sdelay $0x4  }
0x6e: {  	v0 =	vadd.f32 v1, v0;
	_ =	sdelay $0x1  }
0x6f: {  	[tilespmem:s23+$0x11300] =	vst v0;
	v0 =	vld [tilespmem:s23+$0x11310]  }
0x70: {  	v1 =	vld [tilespmem:s24+$0xFFFFFFF0];
	_ =	sdelay $0x4  }
0x71: {  	v0 =	vadd.f32 v1, v0;
	_ =	sdelay $0x1  }
0x72: {  	[tilespmem:s23+$0x11310] =	vst v0;
	v0 =	vld [tilespmem:s23+$0x11320]  }
0x73: {  	v1 =	vld [tilespmem:s24+$0x0];
	_ =	sdelay $0x4  }
0x74: {  	v0 =	vadd.f32 v1, v0;
	_ =	sdelay $0x1  }
0x75: {  	[tilespmem:s23+$0x11320] =	vst v0;
	v0 =	vld [tilespmem:s23+$0x11330]  }
0x76: {  	v1 =	vld [tilespmem:s24+$0x10];
	_ =	sdelay $0x4  }
0x77: {  	s5 =	sadd.s32 s21, s8;
	v0 =	vadd.f32 v1, v0  }
0x78: {  	s5 =	sshll.u32 s5, $0x4  }
0x79: {  	s5 =	sadd.s32 s6, s5;
	[tilespmem:s23+$0x11330] =	vst v0  }
0x7a: {  	[hbm4b:s5+s2] =	stream.linear.scatter [tilespmem:s18], [sflag:$0x6], $0x6400, $0x38;
	[tilespmem:$0x1DB00] =	vst v63  }
0x7b: {  	s5 =	simm.s32 @!p0 $0x6  }
0x7c: {  	_ =	swait.ge @!p0 [sflag:s5], $0x6400  }
0x7d: {  	s7 =	simm.s32 @!p0 $0x80;
	[sflag:s5] =	ssyncset.done @!p0 $0x0  }
0x7e: {  	s23 =	simm.s32 @!p0 $0xAF00;
	[sflag:s5] =	ssyncadd.s32 @!p0 $0xFFFF9C00;
	s5 =	sadd.s32 @!p0 $0x3E8, s21  }
0x7f: {  	[tilespmem:s23], [sflag:$0x2] =	stream.indirect.gather @!p0 [hbm4b:s4+s7], $0x80, s5, s7, $0xb8;
	[tilespmem:$0x1DB00] =	vst v63  }
0x80: {  	s5 =	sadd.s32 @!p0 $0x468, s21;
	s7 =	simm.s32 @!p0 $0x48;
	s23 =	simm.s32 @!p0 $0xEF00  }
0x81: {  	[tilespmem:s23], [sflag:$0x2] =	stream.indirect.gather @!p0 [hbm4b:s4+s7], $0x80, s5, s7, $0xb8;
	[tilespmem:$0x1DB00] =	vst v63  }
0x82: {  	_ =	swait.ge [sflag:s30], $0x4000  }
0x83: {  	[sflag:s30] =	ssyncset.done $0x0  }
0x84: {  	[sflag:s30] =	ssyncadd.s32 $0xFFFFC000  }
0x85: {  	_ =	swait.ge [sflag:s30], $0x2400  }
0x86: {  	[sflag:s30] =	ssyncset.done $0x0  }
0x87: {  	s23 =	simm.s32 $0xFFFF9C00;
	[sflag:s30] =	ssyncadd.s32 $0xFFFFDC00  }
0x88: {  	s24 =	simm.s32 $0x1920;
	s5 =	simm.s32 $0xFFFE7200;
	v0 =	vld [tilespmem:s23+$0x17700]  }
.LBB2_7:
0x89: {  	p1 =	sne.s32 s5, $0xFFFFFE00;
	v1 =	vld [tilespmem:s24+$0xFFFFFFE0];
	_ =	sdelay $0x4  }
0x8a: {  	v0 =	vadd.f32 v1, v0;
	_ =	sdelay $0x1  }
0x8b: {  	[tilespmem:s23+$0x17700] =	vst v0;
	v0 =	vld [tilespmem:s23+$0x17710]  }
0x8c: {  	v1 =	vld [tilespmem:s24+$0xFFFFFFF0];
	_ =	sdelay $0x4  }
0x8d: {  	v0 =	vadd.f32 v1, v0;
	_ =	sdelay $0x1  }
0x8e: {  	[tilespmem:s23+$0x17710] =	vst v0;
	v0 =	vld [tilespmem:s23+$0x17720]  }
0x8f: {  	v1 =	vld [tilespmem:s24+$0x0];
	_ =	sdelay $0x4  }
0x90: {  	v0 =	vadd.f32 v1, v0;
	_ =	sdelay $0x1  }
0x91: {  	[tilespmem:s23+$0x17720] =	vst v0;
	v0 =	vld [tilespmem:s23+$0x17730]  }
0x92: {  	v1 =	vld [tilespmem:s24+$0x10];
	_ =	sdelay $0x2  }
.Ltmp2:
0x93: {  	(pc) =	sbr.rel @p1 .LBB2_7-.Ltmp2, $4  }
0x94: {  	_ = 	snop  }
0x95: {  	v1 =	vadd.f32 v1, v0  }
0x96: {  	s7 =	sshra.s32 s5, $0x2  }
0x97: {  	s5 =	sadd.s32 $0x200, s5;
	s24 =	sadd.s32 $0x40, s24;
	v0 =	vld [tilespmem:s7+$0x17700];
	[tilespmem:s23+$0x17730] =	vst v1;
	s23 =	smov.u32 s7  }
0x98: {  	v1 =	vld [tilespmem:s24+$0xFFFFFFE0];
	_ =	sdelay $0x4  }
0x99: {  	v0 =	vadd.f32 v1, v0;
	_ =	sdelay $0x1  }
0x9a: {  	[tilespmem:s23+$0x17700] =	vst v0;
	v0 =	vld [tilespmem:s23+$0x17710]  }
0x9b: {  	v1 =	vld [tilespmem:s24+$0xFFFFFFF0];
	_ =	sdelay $0x4  }
0x9c: {  	v0 =	vadd.f32 v1, v0;
	_ =	sdelay $0x1  }
0x9d: {  	[tilespmem:s23+$0x17710] =	vst v0;
	v0 =	vld [tilespmem:s23+$0x17720]  }
0x9e: {  	v1 =	vld [tilespmem:s24+$0x0];
	_ =	sdelay $0x4  }
0x9f: {  	v0 =	vadd.f32 v1, v0;
	_ =	sdelay $0x1  }
0xa0: {  	[tilespmem:s23+$0x17720] =	vst v0;
	v0 =	vld [tilespmem:s23+$0x17730]  }
0xa1: {  	v1 =	vld [tilespmem:s24+$0x10];
	_ =	sdelay $0x4  }
0xa2: {  	s5 =	sadd.s32 s21, s9;
	v0 =	vadd.f32 v1, v0  }
0xa3: {  	s5 =	sshll.u32 s5, $0x4  }
0xa4: {  	s5 =	sadd.s32 s6, s5;
	[tilespmem:s23+$0x17730] =	vst v0  }
0xa5: {  	[hbm4b:s5+s2] =	stream.linear.scatter [tilespmem:s22], [sflag:$0x7], $0x6400, $0x38;
	[tilespmem:$0x1DB00] =	vst v63  }
0xa6: {  	s5 =	simm.s32 @!p0 $0x7  }
0xa7: {  	_ =	swait.ge @!p0 [sflag:s5], $0x6400  }
0xa8: {  	s7 =	simm.s32 @!p0 $0x80;
	[sflag:s5] =	ssyncset.done @!p0 $0x0  }
0xa9: {  	s23 =	simm.s32 @!p0 $0x11300;
	[sflag:s5] =	ssyncadd.s32 @!p0 $0xFFFF9C00;
	s5 =	sadd.s32 @!p0 $0x4B0, s21  }
0xaa: {  	[tilespmem:s23], [sflag:$0x3] =	stream.indirect.gather @!p0 [hbm4b:s4+s7], $0x80, s5, s7, $0xb8;
	[tilespmem:$0x1DB00] =	vst v63  }
0xab: {  	s5 =	sadd.s32 @!p0 $0x530, s21;
	s7 =	simm.s32 @!p0 $0x48;
	s21 =	simm.s32 @!p0 $0x15300  }
0xac: {  	[tilespmem:s21], [sflag:$0x3] =	stream.indirect.gather @!p0 [hbm4b:s4+s7], $0x80, s5, s7, $0xb8;
	[tilespmem:$0x1DB00] =	vst v63  }
0xad: {  	_ =	swait.ge [sflag:s31], $0x4000  }
0xae: {  	[sflag:s31] =	ssyncset.done $0x0  }
0xaf: {  	[sflag:s31] =	ssyncadd.s32 $0xFFFFC000  }
0xb0: {  	_ =	swait.ge [sflag:s31], $0x2400  }
0xb1: {  	[sflag:s31] =	ssyncset.done $0x0  }
0xb2: {  	s21 =	simm.s32 $0xFFFF9C00;
	[sflag:s31] =	ssyncadd.s32 $0xFFFFDC00  }
0xb3: {  	s23 =	simm.s32 $0x1920;
	s5 =	simm.s32 $0xFFFE7200;
	v0 =	vld [tilespmem:s21+$0x1DB00]  }
.LBB2_9:
0xb4: {  	p0 =	sne.s32 s5, $0xFFFFFE00;
	v1 =	vld [tilespmem:s23+$0xFFFFFFE0];
	_ =	sdelay $0x4  }
0xb5: {  	v0 =	vadd.f32 v1, v0;
	_ =	sdelay $0x1  }
0xb6: {  	[tilespmem:s21+$0x1DB00] =	vst v0;
	v0 =	vld [tilespmem:s21+$0x1DB10]  }
0xb7: {  	v1 =	vld [tilespmem:s23+$0xFFFFFFF0];
	_ =	sdelay $0x4  }
0xb8: {  	v0 =	vadd.f32 v1, v0;
	_ =	sdelay $0x1  }
0xb9: {  	[tilespmem:s21+$0x1DB10] =	vst v0;
	v0 =	vld [tilespmem:s21+$0x1DB20]  }
0xba: {  	v1 =	vld [tilespmem:s23+$0x0];
	_ =	sdelay $0x4  }
0xbb: {  	v0 =	vadd.f32 v1, v0;
	_ =	sdelay $0x1  }
0xbc: {  	[tilespmem:s21+$0x1DB20] =	vst v0;
	v0 =	vld [tilespmem:s21+$0x1DB30]  }
0xbd: {  	v1 =	vld [tilespmem:s23+$0x10];
	_ =	sdelay $0x2  }
.Ltmp3:
0xbe: {  	(pc) =	sbr.rel @p0 .LBB2_9-.Ltmp3, $4  }
0xbf: {  	_ = 	snop  }
0xc0: {  	v1 =	vadd.f32 v1, v0  }
0xc1: {  	s7 =	sshra.s32 s5, $0x2  }
0xc2: {  	s5 =	sadd.s32 $0x200, s5;
	s23 =	sadd.s32 $0x40, s23;
	v0 =	vld [tilespmem:s7+$0x1DB00];
	[tilespmem:s21+$0x1DB30] =	vst v1;
	s21 =	smov.u32 s7  }
0xc3: {  	v1 =	vld [tilespmem:s23+$0xFFFFFFE0];
	_ =	sdelay $0x4  }
0xc4: {  	v0 =	vadd.f32 v1, v0;
	_ =	sdelay $0x1  }
0xc5: {  	v58 =	vld [tilespmem:s21+$0x1DB10];
	[tilespmem:s21+$0x1DB00] =	vst v0  }
0xc6: {  	v59 =	vld [tilespmem:s23+$0xFFFFFFF0];
	_ =	sdelay $0x4  }
0xc7: {  	v0 =	vadd.f32 v59, v58;
	_ =	sdelay $0x1  }
0xc8: {  	v60 =	vld [tilespmem:s21+$0x1DB20];
	[tilespmem:s21+$0x1DB10] =	vst v0  }
0xc9: {  	v61 =	vld [tilespmem:s23+$0x0];
	_ =	sdelay $0x4  }
0xca: {  	v0 =	vadd.f32 v61, v60;
	_ =	sdelay $0x1  }
0xcb: {  	v62 =	vld [tilespmem:s21+$0x1DB30];
	[tilespmem:s21+$0x1DB20] =	vst v0  }
0xcc: {  	v63 =	vld [tilespmem:s23+$0x10];
	_ =	sdelay $0x1  }
0xcd: {  	s19 =	sadd.s32 $0x1, s19  }
0xce: {  	p0 =	sne.s32 s19, $0x8  }
.Ltmp4:
0xcf: {  	_ = 	snop;
	(pc) =	sbr.rel @p0 .LBB2_2-.Ltmp4, $4  }
0xd0: {  	s5 =	sadd.s32 s3, s20;
	v0 =	vadd.f32 v63, v62  }
0xd1: {  	s5 =	sshll.u32 s5, $0x4  }
0xd2: {  	s5 =	sadd.s32 s6, s5;
	[tilespmem:s21+$0x1DB30] =	vst v0  }
0xd3: {  	[hbm4b:s5+s2] =	stream.linear.scatter [tilespmem:s25], [sflag:$0x8], $0x6400, $0x38;
	[tilespmem:$0x1DB00] =	vst v63  }
0xd4: {  	_ =	swait.ge [sflag:s0], $0x6400  }
0xd5: {  	[sflag:s0] =	ssyncset.done $0x0  }
0xd6: {  	[sflag:s0] =	ssyncadd.s32 $0xFFFF9C00  }
0xd7: {  	_ =	swait.ge [sflag:s1], $0x6400  }
0xd8: {  	[sflag:s1] =	ssyncset.done $0x0  }
0xd9: {  	s17 =	sadd.s32 $0x1, s17;
	[sflag:s1] =	ssyncadd.s32 $0xFFFF9C00  }
0xda: {  	p0 =	sne.s32 s17, s10;
	_ =	swait.ge [sflag:s12], $0x6400  }
.Ltmp5:
0xdb: {  	[sflag:s12] =	ssyncset.done $0x0;
	(pc) =	sbr.rel @p0 .LBB2_1-.Ltmp5, $4  }
0xdc: {  	[sflag:s12] =	ssyncadd.s32 $0xFFFF9C00  }
0xdd: {  	_ =	swait.ge [sflag:s16], $0x6400  }
0xde: {  	[sflag:s16] =	ssyncset.done $0x0  }
0xdf: {  	[sflag:s16] =	ssyncadd.s32 $0xFFFF9C00  }
0xe0: {  	_ =	sfence.sel $0x180000  }
0xe1: {  	[bflag:$0x0] =	sbarrier.arrive $0xFFFF  }
0xe2: {  	_ =	strace $0x90000047  }
0xe3: {  	s0 =	stileid.u32;
	[bflag:$0x2] =	sbarrier.arrive $0xFFFF  }
0xe4: {  	p0 =	sne.s32 s0, $0x0;
	s0 =	rddreg [dreg:$0x2]  }
0xe5: {  	s0 =	sadd.s32 @!p0 $0x100000, s0  }
0xe6: {  	[sflag:s0] =	ssyncadd.tile.s32 @!p0 $0x1;
	_ =	shalt  }
.Lfunc_end2:
_tile_overlayer_lowered:
.L_overlay_start_2:
0xe7: {  	(tag) =	ssettag $0x2  }
0xe8: {  	s0 =	rddreg [dreg:$0x0];
	s2 =	stileid.u32  }
0xe9: {  	s1 =	rddreg [dreg:$0x1];
	p0 =	sne.s32 s2, $0x0  }
0xea: {  	s3 =	rddreg [dreg:$0x2];
	[bflag:$0x3] =	sbarrier.arrive $0xFFFF;
	s2 =	simm.s32 @!p0 $0x1C09  }
0xeb: {  	[timem:s3], [sflag:s2] =	dma.local @!p0 [hbm:s0], s1  }
0xec: {  	s0 =	simm.s32 @!p0 $0x9  }
0xed: {  	_ =	swait.ge @!p0 [sflag:s0], s1  }
0xee: {  	s1 =	ssub.s32 @!p0 $0x0, s1;
	[sflag:s0] =	ssyncset.done @!p0 $0x0  }
0xef: {  	[sflag:s0] =	ssyncadd.s32 @!p0 s1  }
0xf0: {  	[bflag:$0x3] =	sbarrier.arrive $0xFFFF  }
0xf1: {  	_ =	shalt  }

// kernel: sparse-core-data-format-call.cloned.1.call-start
scs
called_computation_lowered:
.L_overlay_start_0:
0x0: {  	s2 =	sld [smem:$0x3FD9]  }
0x1: {  	s3 =	sld [smem:$0x3FFE];
	_ =	sdelay $0x1  }
0x2: {  	s1 =	srdreg.scid  }
0x3: {  	s0 =	sand.u32 $0x1, s1  }
0x4: {  	s18 =	sshll.u32 s0, $0xA;
	s2 =	sadd.s32 s3, s2  }
0x5: {  	s2 =	sadd.s32 s2, s18  }
0x6: {  	[smem:$0x3FC5] =	sst s2  }
0x7: {  	_ = 	snop  }
0x8: {  	s2 =	sld [smem:$0x3FD0];
	(tm) =	ssettm $0x1  }
0x9: {  	s19 =	sld [smem:$0x3FFB];
	_ =	sdelay $0x3  }
0xa: {  	_ =	strace s19  }
0xb: {  	s3 =	sld [smem:$0x3FFC];
	_ =	sdelay $0x3  }
0xc: {  	_ =	strace s3  }
0xd: {  	s3 =	sld [smem:$0x3FFD];
	_ =	sdelay $0x3  }
0xe: {  	_ =	strace s3  }
0xf: {  	_ =	strace $0x8FFFFFFF  }
0x10: {  	s20 =	sld [smem:$0x3FDB];
	_ =	sdelay $0x1  }
0x11: {  	s4 =	simm.s32 $_scs_section_size  }
0x12: {  	s5 =	simm.s32 $_size__tile_overlayer_lowered;
	s6 =	simm.s32 $_tile_overlayer_lowered  }
0x13: {  	s23 =	simm.s32 $0x1BFF;
	s22 =	sshll.u32 s6, $0x1;
	s3 =	sadd.s32 s4, s20  }
0x14: {  	s7 =	simm.s32 $0x0;
	s21 =	sshll.u32 s5, $0x1;
	s5 =	sadd.s32 s22, s3  }
0x15: {  	[timem:s7], [sflag:s23] =	dma.local [hbm:s5], s21  }
0x16: {  	_ =	swait.ge [sflag:s23], s21  }
0x17: {  	s4 =	ssub.s32 $0x0, s21;
	[sflag:s23] =	ssyncset.done $0x0  }
0x18: {  	[sflag:s23] =	ssyncadd.s32 s4;
	_ =	sdelay $0x1  }
0x19: {  	s24 =	simm.s32 $0x1B8B  }
0x1a: {  	_ =	swait.ge [sflag:s24], $0x1  }
0x1b: {  	[sflag:s24] =	ssyncset.done $0x0  }
0x1c: {  	s26 =	simm.s32 $0x1B8E;
	s25 =	sld [smem:$0x3FFE];
	[sflag:s24] =	ssyncadd.s32 $0xFFFFFFFF  }
0x1d: {  	s27 =	simm.s32 $execute0_lowered;
	[smem:$0x3FD2] =	sst s26  }
0x1e: {  	s5 =	sshll.u32 s27, $0x1;
	_ =	strace $0x80000049;
	[dreg:$0x1] =	wrdreg $0xFFFFFFFF  }
0x1f: {  	s28 =	simm.s32 $_size_execute0_lowered;
	s3 =	sadd.s32 s3, s5;
	[dreg:$0x0] =	wrdreg $0x0  }
0x20: {  	s5 =	sshll.u32 s28, $0x1;
	[dreg:$0x2] =	wrdreg s3  }
0x21: {  	[dreg:$0x3] =	wrdreg s5  }
0x22: {  	[dreg:$0x4] =	wrdreg $0xC0  }
0x23: {  	_ =	task [dreg:s7], $0x5FFFF  }
0x24: {  	[dreg:$0x1] =	wrdreg $0xFFFFFFFF  }
0x25: {  	[dreg:$0x0] =	wrdreg $0x60  }
0x26: {  	[dreg:$0x2] =	wrdreg s25  }
0x27: {  	[dreg:$0x3] =	wrdreg s2  }
0x28: {  	[dreg:$0x4] =	wrdreg $0x9  }
0x29: {  	_ =	task.clear_ibuf [dreg:s7], $0x5FFFF;
	_ =	strace $0x90000049  }
0x2a: {  	s29 =	simm.s32 $0x9;
	_ =	strace $0x8000004B  }
0x2b: {  	_ =	swait.ge [sflag:s29], $0x1  }
0x2c: {  	[sflag:s29] =	ssyncadd.s32 $0xFFFFFFFF  }
0x2d: {  	_ =	strace $0x9000004B  }
0x2e: {  	_ =	sfence  }
0x2f: {  	s30 =	sld [smem:$0x0];
	_ =	sdelay $0x2  }
0x30: {  	s31 =	sshll.u32 s1, $0xD;
	s1 =	sshrl.u32 s1, $0x2  }
0x31: {  	s3 =	sand.u32 $0x4000, s31;
	s1 =	sadd.s32 s1, s30  }
0x32: {  	s0 =	sor.u32 s3, s0;
	s1 =	sshll.u32 s1, $0x11  }
0x33: {  	s0 =	sor.u32 s1, s0  }
0x34: {  	s0 =	sadd.s32 $0x8F2B, s0  }
0x35: {  	[sflag:s0] =	ssyncadd.remote.s32 $0x1  }
0x36: {  	_ =	sfence.sel $0xFFFF  }
0x37: {  	[dreg:$0x0] =	wrdreg $0xFFFFFFFF;
	(pc) =	sbr.abs _section_cstart, $3  }
0x38: {  	[dreg:$0x1] =	wrdreg $0xFFFFFFFF  }
0x39: {  	_ =	task.clear_ibuf [dreg:s7], $0x2FFFF;
	_ =	strace $0x9FFFFFFF  }
0x3a: {  	(tm) =	ssettm $0x7FFFFFFF  }
0x3b: {  	_ =	shalt  }
tec
execute0_lowered:
.L_overlay_start_1:
0x0: {  	(tag) =	ssettag $0x1  }
0x1: {  	s0 =	stileid.u32;
	s6 =	rddreg [dreg:$0x0]  }
0x2: {  	s2 =	rddreg [dreg:$0x1];
	s5 =	srdreg.scid  }
0x3: {  	s31 =	simm.s32 $0x2;
	s13 =	simm.s32 $0x0;
	s1 =	sshll.u32 s0, $0x7  }
0x4: {  	s14 =	simm.s32 $0x0;
	s12 =	simm.s32 $0x0;
	s3 =	sand.u32 $0x380, s1  }
0x5: {  	s5 =	sshll.u32 s5, $0x4;
	s6 =	sadd.s32 $0x1000, s6;
	s4 =	ssub.s32 $0x400, s3  }
0x6: {  	s1 =	rddreg [dreg:$0x2];
	_ =	strace $0x8000004A;
	s7 =	sand.u32 $0x380, s4  }
0x7: {  	s5 =	sand.u32 $0x10, s5;
	p0 =	sne.s32 s7, $0x0;
	s7 =	simm.s32 $0x1  }
.Ltmp0:
0x8: {  	s8 =	sshrl.u32 s4, $0xA;
	s7 =	simm.s32 @!p0 $0x0;
	(pc) =	sbr.rel .LBB1_1-.Ltmp0, $4  }
0x9: {  	s9 =	sor.u32 s0, s5;
	s4 =	simm.s32 $0x1;
	s30 =	sadd.s32 s7, s8  }
0xa: {  	s11 =	smov.u32 s3;
	[sflag:s4] =	ssyncpa.u1 $0x0;
	s5 =	smul.u32 $0x32, s30  }
0xb: {  	[sflag:s31] =	ssyncpa.u1 $0x0;
	p0 =	por $0x0, $0x0;
	s7 =	sshrl.u32 s9, $0x3  }
0xc: {  	s9 =	simm.s32 $0x2000;
	s10 =	smov.u32 s7;
	s8 =	sor.u32 $0x1, s5  }
.LBB1_4:
0xd: {  	s17 =	sand.u32 $0x1F80, s14;
	s13 =	sshll.u32 s13, $0xD  }
0xe: {  	[tilespmem:s16+$0x810 ss:$0x81] =	vst.msk $0xffff, v2;
	s18 =	sshrl.u32 s14, $0x3;
	s31 =	sand.u32 $0x7, s14;
	s17 =	sadd.s32 s2, s17  }
0xf: {  	[tilespmem:s16+$0x1020 ss:$0x81] =	vst.msk $0xffff, v0;
	s18 =	sand.u32 $0xF, s18;
	s14 =	sshll.u32 s31, $0x12;
	s13 =	sadd.s32 s13, s17  }
0x10: {  	[tilespmem:s16+$0x0 ss:$0x81] =	vst.msk $0xffff, v1;
	s14 =	sor.u32 $0x400, s14;
	s13 =	sadd.s32 s18, s13  }
0x11: {  	[hbm4b:s13+s14] =	stream.strided.scatter [tilespmem:s15], [sflag:$0x2], $0x2000, s9, s14, $0x20;
	[tilespmem:$0x8080] =	vst v63  }
.LBB1_5:
0x12: {  	s15 =	sadd.s32 $0x4, s10  }
0x13: {  	s13 =	sadd.s32 $0x400, s11;
	s17 =	smov.u32 s11;
	p2 =	sgt.s32 s15, $0xC7  }
0x14: {  	s17 =	smov.u32 @p2 s13  }
0x15: {  	s15 =	smov.u32 @p2 s7;
	p2 =	sgt.s32 s17, $0x3FF  }
0x16: {  	s17 =	smov.u32 @p2 s3;
	p2 =	sne.s32 s12, s8  }
.Ltmp1:
0x17: {  	p1 =	slt.u32 s12, $0x2;
	(pc) =	sbr.rel @!p2 .LBB1_6-.Ltmp1, $4  }
0x18: {  	s16 =	simm.s32 @!p1 $0x2  }
0x19: {  	s14 =	smov.u32 s11;
	p0 =	por !p0, !p0;
	_ =	swait.ge @!p1 [sflag:s16], $0x2000  }
0x1a: {  	s13 =	smov.u32 s10;
	[sflag:s16] =	ssyncset.done @!p1 $0x0;
	s10 =	smov.u32 s15  }
0x1b: {  	s12 =	sadd.s32 $0x1, s12;
	[sflag:s16] =	ssyncadd.s32 @!p1 $0xFFFFE000;
	s11 =	smov.u32 s17  }
.LBB1_1:
0x1c: {  	p1 =	sge.u32 s12, s5  }
0x1d: {  	s15 =	sand.u32 @!p1 $0x1FFFFFF, s10  }
0x1e: {  	s16 =	smulhi.u32 @!p1 $0x147AE15, s15;
	_ =	sdelay $0x1  }
0x1f: {  	s16 =	smul.u32 @!p1 $0xC8, s16  }
0x20: {  	s17 =	sxor.u32 @!p1 $0xFFFFFFFF, s12;
	s18 =	smul.u32 @!p1 $0xC80, s11  }
0x21: {  	s31 =	sadd.s32 $0xFFFFFFFF, s12;
	s17 =	sshll.u32 @!p1 s17, $0xD;
	s15 =	ssub.s32 @!p1 s15, s16  }
0x22: {  	s16 =	sand.u32 @!p1 $0x2000, s17;
	s17 =	sadd.s32 @!p1 s6, s18;
	s15 =	sshll.u32 @!p1 s15, $0x4  }
0x23: {  	s18 =	simm.s32 @!p1 $0x6400;
	s15 =	sadd.s32 @!p1 s15, s17;
	s17 =	simm.s32 @!p1 $0x40  }
0x24: {  	[tilespmem:s16], [sflag:$0x1] =	stream.strided.gather @!p1 [hbm4b:s15+s17], $0x2000, s18, s17, $0x38;
	[tilespmem:$0x8080] =	vst v63  }
0x25: {  	p1 =	sge.u32 s31, s5  }
.Ltmp2:
0x26: {  	_ = 	snop;
	(pc) =	sbr.rel @p1 .LBB1_5-.Ltmp2, $1  }
0x27: {  	_ =	sdelay $0x3  }
0x28: {  	s15 =	simm.s32 $0x1  }
0x29: {  	_ =	swait.ge [sflag:s4], $0x2000;
	s15 =	simm.s32 @!p0 $0x0  }
0x2a: {  	[sflag:s4] =	ssyncset.done $0x0;
	s16 =	sshll.u32 s15, $0xD  }
0x2b: {  	[sflag:s4] =	ssyncadd.s32 $0xFFFFE000;
	s19 =	sor.u32 $0x20, s16  }
0x2c: {  	s15 =	smul.u32 $0x8100, s15;
	v3 =	vld [tilespmem:s19+$0x10]  }
0x2d: {  	s30 =	sand.u32 $0x1, s12;
	v2 =	vld [tilespmem:s19+$0xFFFFFFF0]  }
0x2e: {  	s16 =	smul.u32 $0x8100, s30;
	s15 =	sshrl.u32 s15, $0x2;
	v0 =	vld [tilespmem:s19+$0x0]  }
0x2f: {  	v1 =	vld [tilespmem:s19+$0xFFFFFFE0];
	s17 =	sor.u32 $0x4000, s15  }
0x30: {  	s31 =	sshrl.u32 s16, $0x2;
	s16 =	sadd.s32 $0x0, s17  }
0x31: {  	s18 =	simm.s32 $0x4;
	s19 =	sadd.s32 $0x40, s19;
	s15 =	sor.u32 $0x4000, s31;
	[tilespmem:s16+$0x1830 ss:$0x81] =	vst.msk $0xffff, v3  }
.LBB1_3:
0x32: {  	v3 =	vld [tilespmem:s19+$0x10];
	p1 =	sne.s32 s18, $0x1FC;
	[tilespmem:s16+$0x810 ss:$0x81] =	vst.msk $0xffff, v2;
	s20 =	smov.u32 s18;
	s18 =	sadd.s32 $0x4, s18  }
.Ltmp3:
0x33: {  	v2 =	vld [tilespmem:s19+$0xFFFFFFF0];
	[tilespmem:s16+$0x1020 ss:$0x81] =	vst.msk $0xffff, v0;
	(pc) =	sbr.rel @p1 .LBB1_3-.Ltmp3, $4  }
0x34: {  	v0 =	vld [tilespmem:s19+$0x0];
	[tilespmem:s16+$0x0 ss:$0x81] =	vst.msk $0xffff, v1  }
0x35: {  	s16 =	sshra.s32 s20, $0x2;
	v1 =	vld [tilespmem:s19+$0xFFFFFFE0]  }
0x36: {  	s16 =	sadd.s32 s16, s17  }
0x37: {  	s19 =	sadd.s32 $0x40, s19;
	[tilespmem:s16+$0x1830 ss:$0x81] =	vst.msk $0xffff, v3  }
.Ltmp4:
0x38: {  	_ = 	snop;
	(pc) =	sbr.rel .LBB1_4-.Ltmp4, $1  }
0x39: {  	_ =	sdelay $0x3  }
.LBB1_6:
0x3a: {  	_ =	sfence.sel $0x180000  }
0x3b: {  	s2 =	simm.s32 $0x1;
	[bflag:$0x0] =	sbarrier.arrive $0xFFFF  }
0x3c: {  	s31 =	simm.s32 $0x2;
	[sflag:s2] =	ssyncpa.u1 $0x1  }
0x3d: {  	[sflag:s31] =	ssyncpa.u1 $0x1  }
0x3e: {  	p0 =	sne.s32 s0, $0x0;
	_ =	strace $0x9000004A  }
0x3f: {  	s0 =	sadd.s32 @!p0 $0x100000, s1;
	[bflag:$0x2] =	sbarrier.arrive $0xFFFF  }
0x40: {  	[sflag:s0] =	ssyncadd.tile.s32 @!p0 $0x1;
	_ =	shalt  }
.Lfunc_end1:
_tile_overlayer_lowered:
.L_overlay_start_2:
0x41: {  	(tag) =	ssettag $0x2  }
0x42: {  	s0 =	rddreg [dreg:$0x0];
	s2 =	stileid.u32  }
0x43: {  	s1 =	rddreg [dreg:$0x1];
	p0 =	sne.s32 s2, $0x0  }
0x44: {  	s3 =	rddreg [dreg:$0x2];
	[bflag:$0x3] =	sbarrier.arrive $0xFFFF;
	s2 =	simm.s32 @!p0 $0x1C01  }
0x45: {  	[timem:s3], [sflag:s2] =	dma.local @!p0 [hbm:s0], s1  }
0x46: {  	s0 =	simm.s32 @!p0 $0x1  }
0x47: {  	_ =	swait.ge @!p0 [sflag:s0], s1  }
0x48: {  	s1 =	ssub.s32 @!p0 $0x0, s1;
	[sflag:s0] =	ssyncset.done @!p0 $0x0  }
0x49: {  	[sflag:s0] =	ssyncadd.s32 @!p0 s1  }
0x4a: {  	[bflag:$0x3] =	sbarrier.arrive $0xFFFF  }
0x4b: {  	_ =	shalt  }

</sc_bundles>
